<compile_context>
chip_gen: v7x
topology: tpu7x:2x2x1
jax: 0.10.2.dev20260603
libtpu: 0.0.44.dev20260713+nightly
codegen_flags: <defaults>
</compile_context>

<pallas_src>
import functools

import jax
import jax.numpy as jnp
from jax import lax
from jax.experimental import pallas as pl
from jax.experimental.pallas import tpu as pltpu
from jax.experimental.pallas import tpu_sc as plsc

NC = 2
NS = 16
NW = NC * NS
CH = 128
D = 128
R = 1024


def _rup(a, b):
    return -(-a // b) * b


def _mesh():
    return plsc.VectorSubcoreMesh(
        core_axis_name="c", subcore_axis_name="s", num_cores=NC, num_subcores=NS
    )




def _deg_kernel(np_, tch):
    share = np_ // NS

    @functools.partial(
        pl.kernel,
        out_type=jax.ShapeDtypeStruct((NC, np_), jnp.float32),
        mesh=_mesh(),
        compiler_params=pltpu.CompilerParams(needs_layout_passes=False),
        scratch_types=[
            pltpu.VMEM((tch, CH), jnp.int32),
            pltpu.VMEM((CH,), jnp.float32),
            pltpu.VMEM((share,), jnp.float32),
            pltpu.VMEM_SHARED((np_,), jnp.float32),
        ],
    )
    def k(dst3, degp, idx_v, ones_v, obuf_v, acc):
        cid = lax.axis_index("c")
        sid = lax.axis_index("s")
        w = cid * NS + sid

        def fill_ones(i, _):
            ones_v[pl.ds(i * 16, 16)] = jnp.ones((16,), jnp.float32)
            return 0

        lax.fori_loop(0, CH // 16, fill_ones, 0)

        def fill_zero(i, _):
            obuf_v[pl.ds(i * 16, 16)] = jnp.zeros((16,), jnp.float32)
            return 0

        lax.fori_loop(0, share // 16, fill_zero, 0)
        pltpu.sync_copy(obuf_v, acc.at[pl.ds(sid * share, share)])
        pltpu.sync_copy(dst3.at[w], idx_v)
        plsc.subcore_barrier()

        def chunk(j, _):
            pltpu.sync_copy(ones_v, acc.at[idx_v.at[j]], add=True)
            return 0

        lax.fori_loop(0, tch, chunk, 0)
        plsc.subcore_barrier()
        pltpu.sync_copy(acc.at[pl.ds(sid * share, share)], obuf_v)
        pltpu.sync_copy(obuf_v, degp.at[cid].at[pl.ds(sid * share, share)])

    return k


def _agg_kernel(np_, tch, nbuf=2, nhalf=2):
    share = np_ // NS
    hlf = tch // nhalf

    @functools.partial(
        pl.kernel,
        out_type=jax.ShapeDtypeStruct((NC, np_, D), jnp.float32),
        mesh=_mesh(),
        compiler_params=pltpu.CompilerParams(needs_layout_passes=False),
        scratch_types=[
            pltpu.VMEM((hlf, CH), jnp.int32),
            pltpu.VMEM((hlf, CH), jnp.int32),
            pltpu.VMEM((nbuf, CH, D), jnp.float32),
            pltpu.VMEM_SHARED((np_, D), jnp.float32),
            pltpu.SemaphoreType.DMA((nbuf,)),
        ],
    )
    def k(h_hbm, z_hbm, src3, dst3, out_hbm, srcv, dstv, rowb, acc, gsem):
        cid = lax.axis_index("c")
        sid = lax.axis_index("s")
        w = cid * NS + sid
        pltpu.sync_copy(z_hbm, acc.at[pl.ds(sid * share, share)])
        plsc.subcore_barrier()

        def run_half(h0):
            pltpu.sync_copy(src3.at[w].at[pl.ds(h0, hlf)], srcv)
            pltpu.sync_copy(dst3.at[w].at[pl.ds(h0, hlf)], dstv)
            for b in range(nbuf):
                pltpu.async_copy(h_hbm.at[srcv.at[b]], rowb.at[b], gsem.at[b])

            def grp(g, _):
                for b in range(nbuf):
                    j = g * nbuf + b
                    pltpu.make_async_copy(
                        h_hbm.at[srcv.at[j]], rowb.at[b], gsem.at[b]
                    ).wait()
                    pltpu.sync_copy(rowb.at[b], acc.at[dstv.at[j]], add=True)
                    nxt = j + nbuf

                    @pl.when(nxt < hlf)
                    def _():
                        pltpu.async_copy(
                            h_hbm.at[srcv.at[nxt]], rowb.at[b], gsem.at[b]
                        )

                return 0

            lax.fori_loop(0, hlf // nbuf, grp, 0)

        for h in range(nhalf):
            run_half(h * hlf)
        plsc.subcore_barrier()
        pltpu.sync_copy(
            acc.at[pl.ds(sid * share, share)],
            out_hbm.at[cid].at[pl.ds(sid * share, share)],
        )

    return k


def _scalar_agg_kernel(np_, tch):
    share = np_ // NS

    @functools.partial(
        pl.kernel,
        out_type=jax.ShapeDtypeStruct((NC, np_), jnp.float32),
        mesh=_mesh(),
        compiler_params=pltpu.CompilerParams(needs_layout_passes=False),
        scratch_types=[
            pltpu.VMEM((tch, CH), jnp.int32),
            pltpu.VMEM((tch, CH), jnp.int32),
            pltpu.VMEM((np_,), jnp.float32),
            pltpu.VMEM((CH,), jnp.float32),
            pltpu.VMEM((share,), jnp.float32),
            pltpu.VMEM_SHARED((np_,), jnp.float32),
        ],
    )
    def k(st_hbm, src3, dst3, out_hbm, srcv, dstv, table_v, chunk_v, obuf_v, acc):
        cid = lax.axis_index("c")
        sid = lax.axis_index("s")
        w = cid * NS + sid

        def fill_zero(i, _):
            obuf_v[pl.ds(i * 16, 16)] = jnp.zeros((16,), jnp.float32)
            return 0

        lax.fori_loop(0, share // 16, fill_zero, 0)
        pltpu.sync_copy(obuf_v, acc.at[pl.ds(sid * share, share)])
        pltpu.sync_copy(st_hbm, table_v)
        pltpu.sync_copy(src3.at[w], srcv)
        pltpu.sync_copy(dst3.at[w], dstv)
        plsc.subcore_barrier()

        def chunk(j, _):
            for kk in range(CH // 16):
                idx16 = srcv[j, pl.ds(kk * 16, 16)]
                chunk_v[pl.ds(kk * 16, 16)] = plsc.load_gather(table_v, [idx16])
            pltpu.sync_copy(chunk_v, acc.at[dstv.at[j]], add=True)
            return 0

        lax.fori_loop(0, tch, chunk, 0)
        plsc.subcore_barrier()
        pltpu.sync_copy(acc.at[pl.ds(sid * share, share)], obuf_v)
        pltpu.sync_copy(obuf_v, out_hbm.at[cid].at[pl.ds(sid * share, share)])

    return k



BK = 32768


def _edge_prep(n, e, ep, np_):
    smask = (1 << (n.bit_length() - 1)) - 1
    gmask = 127

    def body(ei_ref, src_ref, dst_ref):
        i = pl.program_id(0)
        col = jax.lax.broadcasted_iota(jnp.int32, (1, BK), 1) + i * BK
        sv = ei_ref[0:1, :]
        dv = ei_ref[1:2, :]
        p = col - e
        src = jnp.where(col < e, sv, (p * 37) & smask)
        dst = jnp.where(col < e, dv, n + (p & gmask))
        src_ref[...] = src.reshape(BK)
        dst_ref[...] = dst.reshape(BK)

    last = (e - 1) // BK
    return pl.pallas_call(
        body,
        grid=(ep // BK,),
        in_specs=[pl.BlockSpec((2, BK), lambda i: (0, jnp.minimum(i, last)))],
        out_specs=[
            pl.BlockSpec((BK,), lambda i: (i,)),
            pl.BlockSpec((BK,), lambda i: (i,)),
        ],
        out_shape=[
            jax.ShapeDtypeStruct((ep,), jnp.int32),
            jax.ShapeDtypeStruct((ep,), jnp.int32),
        ],
    )


def _scale_mm_body(x_ref, w_ref, degp_ref, h_ref, dis_ref):
    deg = 1.0 + degp_ref[0] + degp_ref[1]
    dis = lax.rsqrt(deg)
    h = jnp.dot(x_ref[...], w_ref[...], preferred_element_type=jnp.float32,
                precision=lax.Precision.HIGHEST)
    h_ref[...] = h * dis.reshape(R, 1)
    dis_ref[...] = dis


def _scale_mm(np_):
    return pl.pallas_call(
        _scale_mm_body,
        grid=(np_ // R,),
        in_specs=[
            pl.BlockSpec((R, D), lambda i: (i, 0)),
            pl.BlockSpec((D, D), lambda i: (0, 0)),
            pl.BlockSpec((NC, R), lambda i: (0, i)),
        ],
        out_specs=[
            pl.BlockSpec((R, D), lambda i: (i, 0)),
            pl.BlockSpec((R,), lambda i: (i,)),
        ],
        out_shape=[
            jax.ShapeDtypeStruct((np_, D), jnp.float32),
            jax.ShapeDtypeStruct((np_,), jnp.float32),
        ],
    )


def _mid_body(p_ref, h_ref, dis_ref, b1_ref, w2_ref, st_ref):
    a = p_ref[0] + p_ref[1] + h_ref[...]
    dis = dis_ref[...]
    h1 = dis.reshape(R, 1) * a + b1_ref[...]
    r = jnp.maximum(h1, 0.0)
    s = jnp.sum(r * w2_ref[...], axis=1)
    st_ref[...] = dis * s


def _mid(np_):
    return pl.pallas_call(
        _mid_body,
        grid=(np_ // R,),
        in_specs=[
            pl.BlockSpec((NC, R, D), lambda i: (0, i, 0)),
            pl.BlockSpec((R, D), lambda i: (i, 0)),
            pl.BlockSpec((R,), lambda i: (i,)),
            pl.BlockSpec((1, D), lambda i: (0, 0)),
            pl.BlockSpec((1, D), lambda i: (0, 0)),
        ],
        out_specs=pl.BlockSpec((R,), lambda i: (i,)),
        out_shape=jax.ShapeDtypeStruct((np_,), jnp.float32),
    )


def _final_body(p2_ref, st_ref, dis_ref, b2_ref, o_ref):
    t = p2_ref[0] + p2_ref[1] + st_ref[...]
    o = jnp.tanh(dis_ref[...] * t + b2_ref[0])
    o_ref[...] = o.reshape(R, 1)


def _final(np_, n):
    return pl.pallas_call(
        _final_body,
        grid=(np_ // R,),
        in_specs=[
            pl.BlockSpec((NC, R), lambda i: (0, i)),
            pl.BlockSpec((R,), lambda i: (i,)),
            pl.BlockSpec((R,), lambda i: (i,)),
            pl.BlockSpec((1,), lambda i: (0,)),
        ],
        out_specs=pl.BlockSpec((R, 1), lambda i: (i, 0)),
        out_shape=jax.ShapeDtypeStruct((n, 1), jnp.float32),
    )




def kernel(x, edge_index, W1, b1, W2, b2):
    n = x.shape[0]
    e = edge_index.shape[1]
    np_ = _rup(n + 128, NS * 128)
    tch = _rup(-(-e // (NW * CH)), 4)
    ep = NW * CH * tch
    npad = ep - e

    del npad
    src_f, dst_f = _edge_prep(n, e, ep, np_)(edge_index.astype(jnp.int32))
    src_p = src_f.reshape(NW, tch, CH)
    dst_p = dst_f.reshape(NW, tch, CH)

    degp = _deg_kernel(np_, tch)(dst_p)
    h_t, dis = _scale_mm(np_)(x, W1, degp)
    zrows = jnp.zeros((np_ // NS, D), jnp.float32)
    aggp = _agg_kernel(np_, tch)(h_t, zrows, src_p, dst_p)
    st = _mid(np_)(aggp, h_t, dis, b1.reshape(1, D), W2.reshape(1, D))
    agg2 = _scalar_agg_kernel(np_, tch)(st, src_p, dst_p)
    return _final(np_, n)(agg2, st, dis, b2)

# --- scband reference (transcript-rebuilt; emitter-appended) ---
"""Pipeline reference for scband-action-value-16673063043606 (READ-ONLY COPY).

The authoritative reference and input builder live on the scoring server;
editing this copy changes nothing except your own understanding.
"""

import jax, jax.numpy as jnp
import numpy as np

N_NODES = 10000
N_EDGES = 320000
D_IN = 128
D_HID = 128
D_OUT = 1


def setup_inputs(seed: int = 0) -> dict:
    key = jax.random.key(seed)
    k1, k2, k3, k4, k5, k6 = jax.random.split(key, 6)
    x = jax.random.normal(k1, (N_NODES, D_IN), dtype=jnp.float32)
    edge_index = jax.random.randint(k2, (2, N_EDGES), 0, N_NODES, dtype=jnp.int64)
    # Glorot-style init for GCN layer weights (PyG GCNConv: lin weight + bias)
    s1 = 1.0 / np.sqrt(D_IN)
    W1 = jax.random.uniform(k3, (D_IN, D_HID), minval=-s1, maxval=s1, dtype=jnp.float32)
    b1 = jnp.zeros((D_HID,), dtype=jnp.float32)
    s2 = 1.0 / np.sqrt(D_HID)
    W2 = jax.random.uniform(k4, (D_HID, D_OUT), minval=-s2, maxval=s2, dtype=jnp.float32)
    b2 = jnp.zeros((D_OUT,), dtype=jnp.float32)
    return {"x": x, "edge_index": edge_index, "W1": W1, "b1": b1, "W2": W2, "b2": b2}


def _gcn_conv(x, src, dst, W, b):
    # PyG GCNConv (normalize=True, add_self_loops handled by caller via src/dst):
    # x' = D^{-1/2} (A + I) D^{-1/2} (x W) + b
    n = x.shape[0]
    h = x @ W
    deg = jnp.zeros((n,), dtype=h.dtype).at[dst].add(1.0)
    deg_inv_sqrt = jnp.where(deg > 0, jax.lax.rsqrt(jnp.maximum(deg, 1e-12)), 0.0)
    norm = deg_inv_sqrt[src] * deg_inv_sqrt[dst]
    msg = h[src] * norm[:, None]
    out = jnp.zeros_like(h).at[dst].add(msg)
    return out + b


def reference(x, edge_index, W1, b1, W2, b2):
    n = x.shape[0]
    loop = jnp.arange(n, dtype=edge_index.dtype)
    src = jnp.concatenate([edge_index[0], loop])
    dst = jnp.concatenate([edge_index[1], loop])
    h = _gcn_conv(x, src, dst, W1, b1)
    h = jax.nn.relu(h)
    out = _gcn_conv(h, src, dst, W2, b2)
    # ActionValue wraps the GNN output with Tanh (out_channels forced to 1)
    return jnp.tanh(out)

if __name__ == "__main__":
    import jax
    _d = setup_inputs()
    print(jax.jit(kernel)(*tuple(_d.values())))

</pallas_src>

<mosaic_0001>
#map = affine_map<(d0, d1) -> (0, 0)>
#map1 = affine_map<(d0, d1) -> (0, 0, 0)>
module attributes {stable_mosaic.version = 14 : i64} {
  func.func @k(%arg0: i32, %arg1: i32, %arg2: memref<10240x128xf32, #tpu.memory_space<hbm>>, %arg3: memref<640x128xf32, #tpu.memory_space<hbm>>, %arg4: memref<32x80x128xi32, #tpu.memory_space<hbm>>, %arg5: memref<32x80x128xi32, #tpu.memory_space<hbm>>, %arg6: memref<2x10240x128xf32, #tpu.memory_space<hbm>>, %arg7: memref<40x128xi32, #tpu.memory_space<vmem>>, %arg8: memref<40x128xi32, #tpu.memory_space<vmem>>, %arg9: memref<2x128x128xf32, #tpu.memory_space<vmem>>, %arg10: memref<10240x128xf32, #tpu.memory_space<vmem_shared>>, %arg11: memref<2x!tpu.dma_semaphore, #tpu.memory_space<semaphore_mem>>) attributes {dimension_semantics = [#tpu.dimension_semantics<core_parallel>, #tpu.dimension_semantics<subcore_parallel>], iteration_bounds = array<i64: 2, 16>, scalar_prefetch = 0 : i64, scratch_operands = 5 : i64, tpu.core_type = #tpu.core_type<sc_vector_subcore>, window_params = [{transform_indices = #map}, {transform_indices = #map}, {transform_indices = #map1}, {transform_indices = #map1}, {transform_indices = #map1}]} {
    %mul3A = arith.constant 16 : i32
    %mul3A_0 = arith.muli %arg0, %mul3A : i32
    %add3A = arith.addi %mul3A_0, %arg1 : i32
    %mul3A_1 = arith.constant 640 : i32
    %mul3A_2 = arith.muli %arg1, %mul3A_1 : i32
    "tpu.region"() ({
      %run_scoped3A = tpu.sem_alloc : memref<!tpu.dma_semaphore, #tpu.memory_space<semaphore_mem>>
      %dma_start3A_80 = arith.constant 0 : i32
      %dma_start3A_81 = tpu.memref_slice %arg10[%mul3A_2, %dma_start3A_80] : memref<10240x128xf32, #tpu.memory_space<vmem_shared>> -> memref<640x128xf32, #tpu.memory_space<vmem_shared>>
      tpu.enqueue_dma source(%arg3 : memref<640x128xf32, #tpu.memory_space<hbm>>) target(%dma_start3A_81 : memref<640x128xf32, #tpu.memory_space<vmem_shared>>) target_semaphore(%run_scoped3A : memref<!tpu.dma_semaphore, #tpu.memory_space<semaphore_mem>>)
      %dma_wait3A = arith.constant 0 : i32
      %dma_wait3A_82 = tpu.memref_slice %arg10[%mul3A_2, %dma_wait3A] : memref<10240x128xf32, #tpu.memory_space<vmem_shared>> -> memref<640x128xf32, #tpu.memory_space<vmem_shared>>
      tpu.wait_dma2 semaphore(%run_scoped3A : memref<!tpu.dma_semaphore, #tpu.memory_space<semaphore_mem>>) src(%arg3 : memref<640x128xf32, #tpu.memory_space<hbm>>) dst(%dma_wait3A_82 : memref<640x128xf32, #tpu.memory_space<vmem_shared>>)
      tpu.yield
    }) : () -> ()
    %barrier3A = arith.constant 0 : index
    tpu.barrier barrier_id(%barrier3A)
    "tpu.region"() ({
      %run_scoped3A = tpu.sem_alloc : memref<!tpu.dma_semaphore, #tpu.memory_space<semaphore_mem>>
      %dma_start3A_80 = arith.constant 0 : i32
      %dma_start3A_81 = arith.constant 0 : i32
      %dma_start3A_82 = tpu.memref_slice %arg4[%add3A, %dma_start3A_80, %dma_start3A_81] : memref<32x80x128xi32, #tpu.memory_space<hbm>> -> memref<1x80x128xi32, #tpu.memory_space<hbm>>
      %dma_start3A_83 = tpu.memref_squeeze %dma_start3A_82 : memref<1x80x128xi32, #tpu.memory_space<hbm>> -> memref<80x128xi32, #tpu.memory_space<hbm>>
      %dma_start3A_84 = arith.constant 0 : i32
      %dma_start3A_85 = arith.constant 0 : i32
      %dma_start3A_86 = tpu.memref_slice %dma_start3A_83[%dma_start3A_84, %dma_start3A_85] : memref<80x128xi32, #tpu.memory_space<hbm>> -> memref<40x128xi32, #tpu.memory_space<hbm>>
      %dma_start3A_87 = arith.constant 0 : i32
      %dma_start3A_88 = arith.constant 0 : i32
      %dma_start3A_89 = tpu.memref_slice %arg4[%add3A, %dma_start3A_87, %dma_start3A_88] : memref<32x80x128xi32, #tpu.memory_space<hbm>> -> memref<1x80x128xi32, #tpu.memory_space<hbm>>
      %dma_start3A_90 = tpu.memref_squeeze %dma_start3A_89 : memref<1x80x128xi32, #tpu.memory_space<hbm>> -> memref<80x128xi32, #tpu.memory_space<hbm>>
      %dma_start3A_91 = arith.constant 0 : i32
      %dma_start3A_92 = arith.constant 0 : i32
      %dma_start3A_93 = tpu.memref_slice %dma_start3A_90[%dma_start3A_91, %dma_start3A_92] : memref<80x128xi32, #tpu.memory_space<hbm>> -> memref<40x128xi32, #tpu.memory_space<hbm>>
      tpu.enqueue_dma source(%dma_start3A_93 : memref<40x128xi32, #tpu.memory_space<hbm>>) target(%arg7 : memref<40x128xi32, #tpu.memory_space<vmem>>) target_semaphore(%run_scoped3A : memref<!tpu.dma_semaphore, #tpu.memory_space<semaphore_mem>>)
      %dma_wait3A = arith.constant 0 : i32
      %dma_wait3A_94 = arith.constant 0 : i32
      %dma_wait3A_95 = tpu.memref_slice %arg4[%add3A, %dma_wait3A, %dma_wait3A_94] : memref<32x80x128xi32, #tpu.memory_space<hbm>> -> memref<1x80x128xi32, #tpu.memory_space<hbm>>
      %dma_wait3A_96 = tpu.memref_squeeze %dma_wait3A_95 : memref<1x80x128xi32, #tpu.memory_space<hbm>> -> memref<80x128xi32, #tpu.memory_space<hbm>>
      %dma_wait3A_97 = arith.constant 0 : i32
      %dma_wait3A_98 = arith.constant 0 : i32
      %dma_wait3A_99 = tpu.memref_slice %dma_wait3A_96[%dma_wait3A_97, %dma_wait3A_98] : memref<80x128xi32, #tpu.memory_space<hbm>> -> memref<40x128xi32, #tpu.memory_space<hbm>>
      %dma_wait3A_100 = arith.constant 0 : i32
      %dma_wait3A_101 = arith.constant 0 : i32
      %dma_wait3A_102 = tpu.memref_slice %arg4[%add3A, %dma_wait3A_100, %dma_wait3A_101] : memref<32x80x128xi32, #tpu.memory_space<hbm>> -> memref<1x80x128xi32, #tpu.memory_space<hbm>>
      %dma_wait3A_103 = tpu.memref_squeeze %dma_wait3A_102 : memref<1x80x128xi32, #tpu.memory_space<hbm>> -> memref<80x128xi32, #tpu.memory_space<hbm>>
      %dma_wait3A_104 = arith.constant 0 : i32
      %dma_wait3A_105 = arith.constant 0 : i32
      %dma_wait3A_106 = tpu.memref_slice %dma_wait3A_103[%dma_wait3A_104, %dma_wait3A_105] : memref<80x128xi32, #tpu.memory_space<hbm>> -> memref<40x128xi32, #tpu.memory_space<hbm>>
      tpu.wait_dma2 semaphore(%run_scoped3A : memref<!tpu.dma_semaphore, #tpu.memory_space<semaphore_mem>>) src(%dma_wait3A_106 : memref<40x128xi32, #tpu.memory_space<hbm>>) dst(%arg7 : memref<40x128xi32, #tpu.memory_space<vmem>>)
      tpu.yield
    }) : () -> ()
    "tpu.region"() ({
      %run_scoped3A = tpu.sem_alloc : memref<!tpu.dma_semaphore, #tpu.memory_space<semaphore_mem>>
      %dma_start3A_80 = arith.constant 0 : i32
      %dma_start3A_81 = arith.constant 0 : i32
      %dma_start3A_82 = tpu.memref_slice %arg5[%add3A, %dma_start3A_80, %dma_start3A_81] : memref<32x80x128xi32, #tpu.memory_space<hbm>> -> memref<1x80x128xi32, #tpu.memory_space<hbm>>
      %dma_start3A_83 = tpu.memref_squeeze %dma_start3A_82 : memref<1x80x128xi32, #tpu.memory_space<hbm>> -> memref<80x128xi32, #tpu.memory_space<hbm>>
      %dma_start3A_84 = arith.constant 0 : i32
      %dma_start3A_85 = arith.constant 0 : i32
      %dma_start3A_86 = tpu.memref_slice %dma_start3A_83[%dma_start3A_84, %dma_start3A_85] : memref<80x128xi32, #tpu.memory_space<hbm>> -> memref<40x128xi32, #tpu.memory_space<hbm>>
      %dma_start3A_87 = arith.constant 0 : i32
      %dma_start3A_88 = arith.constant 0 : i32
      %dma_start3A_89 = tpu.memref_slice %arg5[%add3A, %dma_start3A_87, %dma_start3A_88] : memref<32x80x128xi32, #tpu.memory_space<hbm>> -> memref<1x80x128xi32, #tpu.memory_space<hbm>>
      %dma_start3A_90 = tpu.memref_squeeze %dma_start3A_89 : memref<1x80x128xi32, #tpu.memory_space<hbm>> -> memref<80x128xi32, #tpu.memory_space<hbm>>
      %dma_start3A_91 = arith.constant 0 : i32
      %dma_start3A_92 = arith.constant 0 : i32
      %dma_start3A_93 = tpu.memref_slice %dma_start3A_90[%dma_start3A_91, %dma_start3A_92] : memref<80x128xi32, #tpu.memory_space<hbm>> -> memref<40x128xi32, #tpu.memory_space<hbm>>
      tpu.enqueue_dma source(%dma_start3A_93 : memref<40x128xi32, #tpu.memory_space<hbm>>) target(%arg8 : memref<40x128xi32, #tpu.memory_space<vmem>>) target_semaphore(%run_scoped3A : memref<!tpu.dma_semaphore, #tpu.memory_space<semaphore_mem>>)
      %dma_wait3A = arith.constant 0 : i32
      %dma_wait3A_94 = arith.constant 0 : i32
      %dma_wait3A_95 = tpu.memref_slice %arg5[%add3A, %dma_wait3A, %dma_wait3A_94] : memref<32x80x128xi32, #tpu.memory_space<hbm>> -> memref<1x80x128xi32, #tpu.memory_space<hbm>>
      %dma_wait3A_96 = tpu.memref_squeeze %dma_wait3A_95 : memref<1x80x128xi32, #tpu.memory_space<hbm>> -> memref<80x128xi32, #tpu.memory_space<hbm>>
      %dma_wait3A_97 = arith.constant 0 : i32
      %dma_wait3A_98 = arith.constant 0 : i32
      %dma_wait3A_99 = tpu.memref_slice %dma_wait3A_96[%dma_wait3A_97, %dma_wait3A_98] : memref<80x128xi32, #tpu.memory_space<hbm>> -> memref<40x128xi32, #tpu.memory_space<hbm>>
      %dma_wait3A_100 = arith.constant 0 : i32
      %dma_wait3A_101 = arith.constant 0 : i32
      %dma_wait3A_102 = tpu.memref_slice %arg5[%add3A, %dma_wait3A_100, %dma_wait3A_101] : memref<32x80x128xi32, #tpu.memory_space<hbm>> -> memref<1x80x128xi32, #tpu.memory_space<hbm>>
      %dma_wait3A_103 = tpu.memref_squeeze %dma_wait3A_102 : memref<1x80x128xi32, #tpu.memory_space<hbm>> -> memref<80x128xi32, #tpu.memory_space<hbm>>
      %dma_wait3A_104 = arith.constant 0 : i32
      %dma_wait3A_105 = arith.constant 0 : i32
      %dma_wait3A_106 = tpu.memref_slice %dma_wait3A_103[%dma_wait3A_104, %dma_wait3A_105] : memref<80x128xi32, #tpu.memory_space<hbm>> -> memref<40x128xi32, #tpu.memory_space<hbm>>
      tpu.wait_dma2 semaphore(%run_scoped3A : memref<!tpu.dma_semaphore, #tpu.memory_space<semaphore_mem>>) src(%dma_wait3A_106 : memref<40x128xi32, #tpu.memory_space<hbm>>) dst(%arg8 : memref<40x128xi32, #tpu.memory_space<vmem>>)
      tpu.yield
    }) : () -> ()
    %dma_start3A = arith.constant 0 : i32
    %dma_start3A_3 = arith.constant 0 : i32
    %dma_start3A_4 = arith.constant 0 : i32
    %dma_start3A_5 = arith.constant 0 : i32
    %dma_start3A_6 = arith.constant 0 : i32
    %dma_start3A_7 = tpu.memref_slice %arg9[%dma_start3A_3, %dma_start3A_5, %dma_start3A_6] : memref<2x128x128xf32, #tpu.memory_space<vmem>> -> memref<1x128x128xf32, #tpu.memory_space<vmem>>
    %dma_start3A_8 = tpu.memref_squeeze %dma_start3A_7 : memref<1x128x128xf32, #tpu.memory_space<vmem>> -> memref<128x128xf32, #tpu.memory_space<vmem>>
    %dma_start3A_9 = arith.constant 0 : i32
    %dma_start3A_10 = tpu.memref_slice %arg7[%dma_start3A, %dma_start3A_9] : memref<40x128xi32, #tpu.memory_space<vmem>> -> memref<1x128xi32, #tpu.memory_space<vmem>>
    %dma_start3A_11 = tpu.memref_squeeze %dma_start3A_10 : memref<1x128xi32, #tpu.memory_space<vmem>> -> memref<128xi32, #tpu.memory_space<vmem>>
    %dma_start3A_12 = arith.constant 0 : i32
    %dma_start3A_13 = arith.constant 0 : i32
    %dma_start3A_14 = tpu.memref_slice %arg2[%dma_start3A_12, %dma_start3A_13] : memref<10240x128xf32, #tpu.memory_space<hbm>> -> memref<10240x128xf32, #tpu.memory_space<hbm>>
    %dma_start3A_15 = tpu.memref_slice %arg11[%dma_start3A_4] : memref<2x!tpu.dma_semaphore, #tpu.memory_space<semaphore_mem>> -> memref<1x!tpu.dma_semaphore, #tpu.memory_space<semaphore_mem>>
    %dma_start3A_16 = tpu.memref_squeeze %dma_start3A_15 : memref<1x!tpu.dma_semaphore, #tpu.memory_space<semaphore_mem>> -> memref<!tpu.dma_semaphore, #tpu.memory_space<semaphore_mem>>
    tpu.enqueue_indirect_dma source(%dma_start3A_14 : memref<10240x128xf32, #tpu.memory_space<hbm>>) target(%dma_start3A_8 : memref<128x128xf32, #tpu.memory_space<vmem>>) offsets(%dma_start3A_11 : memref<128xi32, #tpu.memory_space<vmem>>) semaphore(%dma_start3A_16 : memref<!tpu.dma_semaphore, #tpu.memory_space<semaphore_mem>>)
    %dma_start3A_17 = arith.constant 1 : i32
    %dma_start3A_18 = arith.constant 1 : i32
    %dma_start3A_19 = arith.constant 1 : i32
    %dma_start3A_20 = arith.constant 0 : i32
    %dma_start3A_21 = arith.constant 0 : i32
    %dma_start3A_22 = tpu.memref_slice %arg9[%dma_start3A_18, %dma_start3A_20, %dma_start3A_21] : memref<2x128x128xf32, #tpu.memory_space<vmem>> -> memref<1x128x128xf32, #tpu.memory_space<vmem>>
    %dma_start3A_23 = tpu.memref_squeeze %dma_start3A_22 : memref<1x128x128xf32, #tpu.memory_space<vmem>> -> memref<128x128xf32, #tpu.memory_space<vmem>>
    %dma_start3A_24 = arith.constant 0 : i32
    %dma_start3A_25 = tpu.memref_slice %arg7[%dma_start3A_17, %dma_start3A_24] : memref<40x128xi32, #tpu.memory_space<vmem>> -> memref<1x128xi32, #tpu.memory_space<vmem>>
    %dma_start3A_26 = tpu.memref_squeeze %dma_start3A_25 : memref<1x128xi32, #tpu.memory_space<vmem>> -> memref<128xi32, #tpu.memory_space<vmem>>
    %dma_start3A_27 = arith.constant 0 : i32
    %dma_start3A_28 = arith.constant 0 : i32
    %dma_start3A_29 = tpu.memref_slice %arg2[%dma_start3A_27, %dma_start3A_28] : memref<10240x128xf32, #tpu.memory_space<hbm>> -> memref<10240x128xf32, #tpu.memory_space<hbm>>
    %dma_start3A_30 = tpu.memref_slice %arg11[%dma_start3A_19] : memref<2x!tpu.dma_semaphore, #tpu.memory_space<semaphore_mem>> -> memref<1x!tpu.dma_semaphore, #tpu.memory_space<semaphore_mem>>
    %dma_start3A_31 = tpu.memref_squeeze %dma_start3A_30 : memref<1x!tpu.dma_semaphore, #tpu.memory_space<semaphore_mem>> -> memref<!tpu.dma_semaphore, #tpu.memory_space<semaphore_mem>>
    tpu.enqueue_indirect_dma source(%dma_start3A_29 : memref<10240x128xf32, #tpu.memory_space<hbm>>) target(%dma_start3A_23 : memref<128x128xf32, #tpu.memory_space<vmem>>) offsets(%dma_start3A_26 : memref<128xi32, #tpu.memory_space<vmem>>) semaphore(%dma_start3A_31 : memref<!tpu.dma_semaphore, #tpu.memory_space<semaphore_mem>>)
    %scan3A = arith.constant 0 : i32
    %scan3A_32 = arith.constant 0 : i32
    %scan3A_33 = arith.constant 20 : i32
    %scan3A_34 = arith.addi %scan3A_32, %scan3A_33 : i32
    %scan3A_35 = arith.constant 1 : i32
    %scan3A_36 = scf.for %scan3A_80 = %scan3A_32 to %scan3A_34 step %scan3A_35 iter_args(%scan3A_81 = %scan3A) -> (i32)  : i32 {
      %mul3A_82 = arith.constant 2 : i32
      %mul3A_83 = arith.muli %scan3A_80, %mul3A_82 : i32
      %add3A_84 = arith.constant 0 : i32
      %add3A_85 = arith.addi %mul3A_83, %add3A_84 : i32
      %dma_wait3A = arith.constant 0 : i32
      %dma_wait3A_86 = arith.constant 0 : i32
      %dma_wait3A_87 = arith.constant 0 : i32
      %dma_wait3A_88 = arith.constant 0 : i32
      %dma_wait3A_89 = tpu.memref_slice %arg9[%dma_wait3A, %dma_wait3A_87, %dma_wait3A_88] : memref<2x128x128xf32, #tpu.memory_space<vmem>> -> memref<1x128x128xf32, #tpu.memory_space<vmem>>
      %dma_wait3A_90 = tpu.memref_squeeze %dma_wait3A_89 : memref<1x128x128xf32, #tpu.memory_space<vmem>> -> memref<128x128xf32, #tpu.memory_space<vmem>>
      %dma_wait3A_91 = arith.constant 0 : i32
      %dma_wait3A_92 = tpu.memref_slice %arg7[%add3A_85, %dma_wait3A_91] : memref<40x128xi32, #tpu.memory_space<vmem>> -> memref<1x128xi32, #tpu.memory_space<vmem>>
      %dma_wait3A_93 = tpu.memref_squeeze %dma_wait3A_92 : memref<1x128xi32, #tpu.memory_space<vmem>> -> memref<128xi32, #tpu.memory_space<vmem>>
      %dma_wait3A_94 = arith.constant 0 : i32
      %dma_wait3A_95 = arith.constant 0 : i32
      %dma_wait3A_96 = tpu.memref_slice %arg2[%dma_wait3A_94, %dma_wait3A_95] : memref<10240x128xf32, #tpu.memory_space<hbm>> -> memref<10240x128xf32, #tpu.memory_space<hbm>>
      %dma_wait3A_97 = tpu.memref_slice %arg11[%dma_wait3A_86] : memref<2x!tpu.dma_semaphore, #tpu.memory_space<semaphore_mem>> -> memref<1x!tpu.dma_semaphore, #tpu.memory_space<semaphore_mem>>
      %dma_wait3A_98 = tpu.memref_squeeze %dma_wait3A_97 : memref<1x!tpu.dma_semaphore, #tpu.memory_space<semaphore_mem>> -> memref<!tpu.dma_semaphore, #tpu.memory_space<semaphore_mem>>
      tpu.wait_indirect_dma semaphore(%dma_wait3A_98 : memref<!tpu.dma_semaphore, #tpu.memory_space<semaphore_mem>>) src(%dma_wait3A_96 : memref<10240x128xf32, #tpu.memory_space<hbm>>) dst(%dma_wait3A_90 : memref<128x128xf32, #tpu.memory_space<vmem>>)
      %run_scoped3A = arith.constant 0 : i32
      "tpu.region"() ({
        %run_scoped3A_130 = tpu.sem_alloc : memref<!tpu.dma_semaphore, #tpu.memory_space<semaphore_mem>>
        %dma_start3A_131 = arith.constant 0 : i32
        %dma_start3A_132 = arith.constant 0 : i32
        %dma_start3A_133 = tpu.memref_slice %arg9[%run_scoped3A, %dma_start3A_131, %dma_start3A_132] : memref<2x128x128xf32, #tpu.memory_space<vmem>> -> memref<1x128x128xf32, #tpu.memory_space<vmem>>
        %dma_start3A_134 = tpu.memref_squeeze %dma_start3A_133 : memref<1x128x128xf32, #tpu.memory_space<vmem>> -> memref<128x128xf32, #tpu.memory_space<vmem>>
        %dma_start3A_135 = arith.constant 0 : i32
        %dma_start3A_136 = tpu.memref_slice %arg8[%add3A_85, %dma_start3A_135] : memref<40x128xi32, #tpu.memory_space<vmem>> -> memref<1x128xi32, #tpu.memory_space<vmem>>
        %dma_start3A_137 = tpu.memref_squeeze %dma_start3A_136 : memref<1x128xi32, #tpu.memory_space<vmem>> -> memref<128xi32, #tpu.memory_space<vmem>>
        %dma_start3A_138 = arith.constant 0 : i32
        %dma_start3A_139 = arith.constant 0 : i32
        %dma_start3A_140 = tpu.memref_slice %arg10[%dma_start3A_138, %dma_start3A_139] : memref<10240x128xf32, #tpu.memory_space<vmem_shared>> -> memref<10240x128xf32, #tpu.memory_space<vmem_shared>>
        tpu.enqueue_indirect_dma source(%dma_start3A_134 : memref<128x128xf32, #tpu.memory_space<vmem>>) target(%dma_start3A_140 : memref<10240x128xf32, #tpu.memory_space<vmem_shared>>) offsets(%dma_start3A_137 : memref<128xi32, #tpu.memory_space<vmem>>) semaphore(%run_scoped3A_130 : memref<!tpu.dma_semaphore, #tpu.memory_space<semaphore_mem>>) {add = true}
        %dma_wait3A_141 = arith.constant 0 : i32
        %dma_wait3A_142 = arith.constant 0 : i32
        %dma_wait3A_143 = tpu.memref_slice %arg9[%run_scoped3A, %dma_wait3A_141, %dma_wait3A_142] : memref<2x128x128xf32, #tpu.memory_space<vmem>> -> memref<1x128x128xf32, #tpu.memory_space<vmem>>
        %dma_wait3A_144 = tpu.memref_squeeze %dma_wait3A_143 : memref<1x128x128xf32, #tpu.memory_space<vmem>> -> memref<128x128xf32, #tpu.memory_space<vmem>>
        %dma_wait3A_145 = arith.constant 0 : i32
        %dma_wait3A_146 = tpu.memref_slice %arg8[%add3A_85, %dma_wait3A_145] : memref<40x128xi32, #tpu.memory_space<vmem>> -> memref<1x128xi32, #tpu.memory_space<vmem>>
        %dma_wait3A_147 = tpu.memref_squeeze %dma_wait3A_146 : memref<1x128xi32, #tpu.memory_space<vmem>> -> memref<128xi32, #tpu.memory_space<vmem>>
        %dma_wait3A_148 = arith.constant 0 : i32
        %dma_wait3A_149 = arith.constant 0 : i32
        %dma_wait3A_150 = tpu.memref_slice %arg10[%dma_wait3A_148, %dma_wait3A_149] : memref<10240x128xf32, #tpu.memory_space<vmem_shared>> -> memref<10240x128xf32, #tpu.memory_space<vmem_shared>>
        tpu.wait_indirect_dma semaphore(%run_scoped3A_130 : memref<!tpu.dma_semaphore, #tpu.memory_space<semaphore_mem>>) src(%dma_wait3A_144 : memref<128x128xf32, #tpu.memory_space<vmem>>) dst(%dma_wait3A_150 : memref<10240x128xf32, #tpu.memory_space<vmem_shared>>)
        tpu.yield
      }) : () -> ()
      %add3A_99 = arith.constant 2 : i32
      %add3A_100 = arith.addi %add3A_85, %add3A_99 : i32
      %lt3A = arith.constant 40 : i32
      %lt3A_101 = arith.cmpi slt, %add3A_100, %lt3A : i32
      %convert_element_type3A = arith.extui %lt3A_101 : i1 to i32
      %cond3A = arith.constant 0 : i32
      %cond3A_102 = arith.cmpi ne, %convert_element_type3A, %cond3A : i32
      scf.if %cond3A_102 {
        %dma_start3A_130 = arith.constant 0 : i32
        %dma_start3A_131 = arith.constant 0 : i32
        %dma_start3A_132 = arith.constant 0 : i32
        %dma_start3A_133 = arith.constant 0 : i32
        %dma_start3A_134 = tpu.memref_slice %arg9[%dma_start3A_130, %dma_start3A_132, %dma_start3A_133] : memref<2x128x128xf32, #tpu.memory_space<vmem>> -> memref<1x128x128xf32, #tpu.memory_space<vmem>>
        %dma_start3A_135 = tpu.memref_squeeze %dma_start3A_134 : memref<1x128x128xf32, #tpu.memory_space<vmem>> -> memref<128x128xf32, #tpu.memory_space<vmem>>
        %dma_start3A_136 = arith.constant 0 : i32
        %dma_start3A_137 = tpu.memref_slice %arg7[%add3A_100, %dma_start3A_136] : memref<40x128xi32, #tpu.memory_space<vmem>> -> memref<1x128xi32, #tpu.memory_space<vmem>>
        %dma_start3A_138 = tpu.memref_squeeze %dma_start3A_137 : memref<1x128xi32, #tpu.memory_space<vmem>> -> memref<128xi32, #tpu.memory_space<vmem>>
        %dma_start3A_139 = arith.constant 0 : i32
        %dma_start3A_140 = arith.constant 0 : i32
        %dma_start3A_141 = tpu.memref_slice %arg2[%dma_start3A_139, %dma_start3A_140] : memref<10240x128xf32, #tpu.memory_space<hbm>> -> memref<10240x128xf32, #tpu.memory_space<hbm>>
        %dma_start3A_142 = tpu.memref_slice %arg11[%dma_start3A_131] : memref<2x!tpu.dma_semaphore, #tpu.memory_space<semaphore_mem>> -> memref<1x!tpu.dma_semaphore, #tpu.memory_space<semaphore_mem>>
        %dma_start3A_143 = tpu.memref_squeeze %dma_start3A_142 : memref<1x!tpu.dma_semaphore, #tpu.memory_space<semaphore_mem>> -> memref<!tpu.dma_semaphore, #tpu.memory_space<semaphore_mem>>
        tpu.enqueue_indirect_dma source(%dma_start3A_141 : memref<10240x128xf32, #tpu.memory_space<hbm>>) target(%dma_start3A_135 : memref<128x128xf32, #tpu.memory_space<vmem>>) offsets(%dma_start3A_138 : memref<128xi32, #tpu.memory_space<vmem>>) semaphore(%dma_start3A_143 : memref<!tpu.dma_semaphore, #tpu.memory_space<semaphore_mem>>)
      } else {
      }
      %mul3A_103 = arith.constant 2 : i32
      %mul3A_104 = arith.muli %scan3A_80, %mul3A_103 : i32
      %add3A_105 = arith.constant 1 : i32
      %add3A_106 = arith.addi %mul3A_104, %add3A_105 : i32
      %dma_wait3A_107 = arith.constant 1 : i32
      %dma_wait3A_108 = arith.constant 1 : i32
      %dma_wait3A_109 = arith.constant 0 : i32
      %dma_wait3A_110 = arith.constant 0 : i32
      %dma_wait3A_111 = tpu.memref_slice %arg9[%dma_wait3A_107, %dma_wait3A_109, %dma_wait3A_110] : memref<2x128x128xf32, #tpu.memory_space<vmem>> -> memref<1x128x128xf32, #tpu.memory_space<vmem>>
      %dma_wait3A_112 = tpu.memref_squeeze %dma_wait3A_111 : memref<1x128x128xf32, #tpu.memory_space<vmem>> -> memref<128x128xf32, #tpu.memory_space<vmem>>
      %dma_wait3A_113 = arith.constant 0 : i32
      %dma_wait3A_114 = tpu.memref_slice %arg7[%add3A_106, %dma_wait3A_113] : memref<40x128xi32, #tpu.memory_space<vmem>> -> memref<1x128xi32, #tpu.memory_space<vmem>>
      %dma_wait3A_115 = tpu.memref_squeeze %dma_wait3A_114 : memref<1x128xi32, #tpu.memory_space<vmem>> -> memref<128xi32, #tpu.memory_space<vmem>>
      %dma_wait3A_116 = arith.constant 0 : i32
      %dma_wait3A_117 = arith.constant 0 : i32
      %dma_wait3A_118 = tpu.memref_slice %arg2[%dma_wait3A_116, %dma_wait3A_117] : memref<10240x128xf32, #tpu.memory_space<hbm>> -> memref<10240x128xf32, #tpu.memory_space<hbm>>
      %dma_wait3A_119 = tpu.memref_slice %arg11[%dma_wait3A_108] : memref<2x!tpu.dma_semaphore, #tpu.memory_space<semaphore_mem>> -> memref<1x!tpu.dma_semaphore, #tpu.memory_space<semaphore_mem>>
      %dma_wait3A_120 = tpu.memref_squeeze %dma_wait3A_119 : memref<1x!tpu.dma_semaphore, #tpu.memory_space<semaphore_mem>> -> memref<!tpu.dma_semaphore, #tpu.memory_space<semaphore_mem>>
      tpu.wait_indirect_dma semaphore(%dma_wait3A_120 : memref<!tpu.dma_semaphore, #tpu.memory_space<semaphore_mem>>) src(%dma_wait3A_118 : memref<10240x128xf32, #tpu.memory_space<hbm>>) dst(%dma_wait3A_112 : memref<128x128xf32, #tpu.memory_space<vmem>>)
      %run_scoped3A_121 = arith.constant 1 : i32
      "tpu.region"() ({
        %run_scoped3A_130 = tpu.sem_alloc : memref<!tpu.dma_semaphore, #tpu.memory_space<semaphore_mem>>
        %dma_start3A_131 = arith.constant 0 : i32
        %dma_start3A_132 = arith.constant 0 : i32
        %dma_start3A_133 = tpu.memref_slice %arg9[%run_scoped3A_121, %dma_start3A_131, %dma_start3A_132] : memref<2x128x128xf32, #tpu.memory_space<vmem>> -> memref<1x128x128xf32, #tpu.memory_space<vmem>>
        %dma_start3A_134 = tpu.memref_squeeze %dma_start3A_133 : memref<1x128x128xf32, #tpu.memory_space<vmem>> -> memref<128x128xf32, #tpu.memory_space<vmem>>
        %dma_start3A_135 = arith.constant 0 : i32
        %dma_start3A_136 = tpu.memref_slice %arg8[%add3A_106, %dma_start3A_135] : memref<40x128xi32, #tpu.memory_space<vmem>> -> memref<1x128xi32, #tpu.memory_space<vmem>>
        %dma_start3A_137 = tpu.memref_squeeze %dma_start3A_136 : memref<1x128xi32, #tpu.memory_space<vmem>> -> memref<128xi32, #tpu.memory_space<vmem>>
        %dma_start3A_138 = arith.constant 0 : i32
        %dma_start3A_139 = arith.constant 0 : i32
        %dma_start3A_140 = tpu.memref_slice %arg10[%dma_start3A_138, %dma_start3A_139] : memref<10240x128xf32, #tpu.memory_space<vmem_shared>> -> memref<10240x128xf32, #tpu.memory_space<vmem_shared>>
        tpu.enqueue_indirect_dma source(%dma_start3A_134 : memref<128x128xf32, #tpu.memory_space<vmem>>) target(%dma_start3A_140 : memref<10240x128xf32, #tpu.memory_space<vmem_shared>>) offsets(%dma_start3A_137 : memref<128xi32, #tpu.memory_space<vmem>>) semaphore(%run_scoped3A_130 : memref<!tpu.dma_semaphore, #tpu.memory_space<semaphore_mem>>) {add = true}
        %dma_wait3A_141 = arith.constant 0 : i32
        %dma_wait3A_142 = arith.constant 0 : i32
        %dma_wait3A_143 = tpu.memref_slice %arg9[%run_scoped3A_121, %dma_wait3A_141, %dma_wait3A_142] : memref<2x128x128xf32, #tpu.memory_space<vmem>> -> memref<1x128x128xf32, #tpu.memory_space<vmem>>
        %dma_wait3A_144 = tpu.memref_squeeze %dma_wait3A_143 : memref<1x128x128xf32, #tpu.memory_space<vmem>> -> memref<128x128xf32, #tpu.memory_space<vmem>>
        %dma_wait3A_145 = arith.constant 0 : i32
        %dma_wait3A_146 = tpu.memref_slice %arg8[%add3A_106, %dma_wait3A_145] : memref<40x128xi32, #tpu.memory_space<vmem>> -> memref<1x128xi32, #tpu.memory_space<vmem>>
        %dma_wait3A_147 = tpu.memref_squeeze %dma_wait3A_146 : memref<1x128xi32, #tpu.memory_space<vmem>> -> memref<128xi32, #tpu.memory_space<vmem>>
        %dma_wait3A_148 = arith.constant 0 : i32
        %dma_wait3A_149 = arith.constant 0 : i32
        %dma_wait3A_150 = tpu.memref_slice %arg10[%dma_wait3A_148, %dma_wait3A_149] : memref<10240x128xf32, #tpu.memory_space<vmem_shared>> -> memref<10240x128xf32, #tpu.memory_space<vmem_shared>>
        tpu.wait_indirect_dma semaphore(%run_scoped3A_130 : memref<!tpu.dma_semaphore, #tpu.memory_space<semaphore_mem>>) src(%dma_wait3A_144 : memref<128x128xf32, #tpu.memory_space<vmem>>) dst(%dma_wait3A_150 : memref<10240x128xf32, #tpu.memory_space<vmem_shared>>)
        tpu.yield
      }) : () -> ()
      %add3A_122 = arith.constant 2 : i32
      %add3A_123 = arith.addi %add3A_106, %add3A_122 : i32
      %lt3A_124 = arith.constant 40 : i32
      %lt3A_125 = arith.cmpi slt, %add3A_123, %lt3A_124 : i32
      %convert_element_type3A_126 = arith.extui %lt3A_125 : i1 to i32
      %cond3A_127 = arith.constant 0 : i32
      %cond3A_128 = arith.cmpi ne, %convert_element_type3A_126, %cond3A_127 : i32
      scf.if %cond3A_128 {
        %dma_start3A_130 = arith.constant 1 : i32
        %dma_start3A_131 = arith.constant 1 : i32
        %dma_start3A_132 = arith.constant 0 : i32
        %dma_start3A_133 = arith.constant 0 : i32
        %dma_start3A_134 = tpu.memref_slice %arg9[%dma_start3A_130, %dma_start3A_132, %dma_start3A_133] : memref<2x128x128xf32, #tpu.memory_space<vmem>> -> memref<1x128x128xf32, #tpu.memory_space<vmem>>
        %dma_start3A_135 = tpu.memref_squeeze %dma_start3A_134 : memref<1x128x128xf32, #tpu.memory_space<vmem>> -> memref<128x128xf32, #tpu.memory_space<vmem>>
        %dma_start3A_136 = arith.constant 0 : i32
        %dma_start3A_137 = tpu.memref_slice %arg7[%add3A_123, %dma_start3A_136] : memref<40x128xi32, #tpu.memory_space<vmem>> -> memref<1x128xi32, #tpu.memory_space<vmem>>
        %dma_start3A_138 = tpu.memref_squeeze %dma_start3A_137 : memref<1x128xi32, #tpu.memory_space<vmem>> -> memref<128xi32, #tpu.memory_space<vmem>>
        %dma_start3A_139 = arith.constant 0 : i32
        %dma_start3A_140 = arith.constant 0 : i32
        %dma_start3A_141 = tpu.memref_slice %arg2[%dma_start3A_139, %dma_start3A_140] : memref<10240x128xf32, #tpu.memory_space<hbm>> -> memref<10240x128xf32, #tpu.memory_space<hbm>>
        %dma_start3A_142 = tpu.memref_slice %arg11[%dma_start3A_131] : memref<2x!tpu.dma_semaphore, #tpu.memory_space<semaphore_mem>> -> memref<1x!tpu.dma_semaphore, #tpu.memory_space<semaphore_mem>>
        %dma_start3A_143 = tpu.memref_squeeze %dma_start3A_142 : memref<1x!tpu.dma_semaphore, #tpu.memory_space<semaphore_mem>> -> memref<!tpu.dma_semaphore, #tpu.memory_space<semaphore_mem>>
        tpu.enqueue_indirect_dma source(%dma_start3A_141 : memref<10240x128xf32, #tpu.memory_space<hbm>>) target(%dma_start3A_135 : memref<128x128xf32, #tpu.memory_space<vmem>>) offsets(%dma_start3A_138 : memref<128xi32, #tpu.memory_space<vmem>>) semaphore(%dma_start3A_143 : memref<!tpu.dma_semaphore, #tpu.memory_space<semaphore_mem>>)
      } else {
      }
      %scan3A_129 = arith.constant 0 : i32
      scf.yield %scan3A_129 : i32
    }
    %scan3A_37 = arith.constant 20 : i32
    "tpu.region"() ({
      %run_scoped3A = tpu.sem_alloc : memref<!tpu.dma_semaphore, #tpu.memory_space<semaphore_mem>>
      %dma_start3A_80 = arith.constant 0 : i32
      %dma_start3A_81 = arith.constant 0 : i32
      %dma_start3A_82 = tpu.memref_slice %arg4[%add3A, %dma_start3A_80, %dma_start3A_81] : memref<32x80x128xi32, #tpu.memory_space<hbm>> -> memref<1x80x128xi32, #tpu.memory_space<hbm>>
      %dma_start3A_83 = tpu.memref_squeeze %dma_start3A_82 : memref<1x80x128xi32, #tpu.memory_space<hbm>> -> memref<80x128xi32, #tpu.memory_space<hbm>>
      %dma_start3A_84 = arith.constant 40 : i32
      %dma_start3A_85 = arith.constant 0 : i32
      %dma_start3A_86 = tpu.memref_slice %dma_start3A_83[%dma_start3A_84, %dma_start3A_85] : memref<80x128xi32, #tpu.memory_space<hbm>> -> memref<40x128xi32, #tpu.memory_space<hbm>>
      %dma_start3A_87 = arith.constant 0 : i32
      %dma_start3A_88 = arith.constant 0 : i32
      %dma_start3A_89 = tpu.memref_slice %arg4[%add3A, %dma_start3A_87, %dma_start3A_88] : memref<32x80x128xi32, #tpu.memory_space<hbm>> -> memref<1x80x128xi32, #tpu.memory_space<hbm>>
      %dma_start3A_90 = tpu.memref_squeeze %dma_start3A_89 : memref<1x80x128xi32, #tpu.memory_space<hbm>> -> memref<80x128xi32, #tpu.memory_space<hbm>>
      %dma_start3A_91 = arith.constant 40 : i32
      %dma_start3A_92 = arith.constant 0 : i32
      %dma_start3A_93 = tpu.memref_slice %dma_start3A_90[%dma_start3A_91, %dma_start3A_92] : memref<80x128xi32, #tpu.memory_space<hbm>> -> memref<40x128xi32, #tpu.memory_space<hbm>>
      tpu.enqueue_dma source(%dma_start3A_93 : memref<40x128xi32, #tpu.memory_space<hbm>>) target(%arg7 : memref<40x128xi32, #tpu.memory_space<vmem>>) target_semaphore(%run_scoped3A : memref<!tpu.dma_semaphore, #tpu.memory_space<semaphore_mem>>)
      %dma_wait3A = arith.constant 0 : i32
      %dma_wait3A_94 = arith.constant 0 : i32
      %dma_wait3A_95 = tpu.memref_slice %arg4[%add3A, %dma_wait3A, %dma_wait3A_94] : memref<32x80x128xi32, #tpu.memory_space<hbm>> -> memref<1x80x128xi32, #tpu.memory_space<hbm>>
      %dma_wait3A_96 = tpu.memref_squeeze %dma_wait3A_95 : memref<1x80x128xi32, #tpu.memory_space<hbm>> -> memref<80x128xi32, #tpu.memory_space<hbm>>
      %dma_wait3A_97 = arith.constant 40 : i32
      %dma_wait3A_98 = arith.constant 0 : i32
      %dma_wait3A_99 = tpu.memref_slice %dma_wait3A_96[%dma_wait3A_97, %dma_wait3A_98] : memref<80x128xi32, #tpu.memory_space<hbm>> -> memref<40x128xi32, #tpu.memory_space<hbm>>
      %dma_wait3A_100 = arith.constant 0 : i32
      %dma_wait3A_101 = arith.constant 0 : i32
      %dma_wait3A_102 = tpu.memref_slice %arg4[%add3A, %dma_wait3A_100, %dma_wait3A_101] : memref<32x80x128xi32, #tpu.memory_space<hbm>> -> memref<1x80x128xi32, #tpu.memory_space<hbm>>
      %dma_wait3A_103 = tpu.memref_squeeze %dma_wait3A_102 : memref<1x80x128xi32, #tpu.memory_space<hbm>> -> memref<80x128xi32, #tpu.memory_space<hbm>>
      %dma_wait3A_104 = arith.constant 40 : i32
      %dma_wait3A_105 = arith.constant 0 : i32
      %dma_wait3A_106 = tpu.memref_slice %dma_wait3A_103[%dma_wait3A_104, %dma_wait3A_105] : memref<80x128xi32, #tpu.memory_space<hbm>> -> memref<40x128xi32, #tpu.memory_space<hbm>>
      tpu.wait_dma2 semaphore(%run_scoped3A : memref<!tpu.dma_semaphore, #tpu.memory_space<semaphore_mem>>) src(%dma_wait3A_106 : memref<40x128xi32, #tpu.memory_space<hbm>>) dst(%arg7 : memref<40x128xi32, #tpu.memory_space<vmem>>)
      tpu.yield
    }) : () -> ()
    "tpu.region"() ({
      %run_scoped3A = tpu.sem_alloc : memref<!tpu.dma_semaphore, #tpu.memory_space<semaphore_mem>>
      %dma_start3A_80 = arith.constant 0 : i32
      %dma_start3A_81 = arith.constant 0 : i32
      %dma_start3A_82 = tpu.memref_slice %arg5[%add3A, %dma_start3A_80, %dma_start3A_81] : memref<32x80x128xi32, #tpu.memory_space<hbm>> -> memref<1x80x128xi32, #tpu.memory_space<hbm>>
      %dma_start3A_83 = tpu.memref_squeeze %dma_start3A_82 : memref<1x80x128xi32, #tpu.memory_space<hbm>> -> memref<80x128xi32, #tpu.memory_space<hbm>>
      %dma_start3A_84 = arith.constant 40 : i32
      %dma_start3A_85 = arith.constant 0 : i32
      %dma_start3A_86 = tpu.memref_slice %dma_start3A_83[%dma_start3A_84, %dma_start3A_85] : memref<80x128xi32, #tpu.memory_space<hbm>> -> memref<40x128xi32, #tpu.memory_space<hbm>>
      %dma_start3A_87 = arith.constant 0 : i32
      %dma_start3A_88 = arith.constant 0 : i32
      %dma_start3A_89 = tpu.memref_slice %arg5[%add3A, %dma_start3A_87, %dma_start3A_88] : memref<32x80x128xi32, #tpu.memory_space<hbm>> -> memref<1x80x128xi32, #tpu.memory_space<hbm>>
      %dma_start3A_90 = tpu.memref_squeeze %dma_start3A_89 : memref<1x80x128xi32, #tpu.memory_space<hbm>> -> memref<80x128xi32, #tpu.memory_space<hbm>>
      %dma_start3A_91 = arith.constant 40 : i32
      %dma_start3A_92 = arith.constant 0 : i32
      %dma_start3A_93 = tpu.memref_slice %dma_start3A_90[%dma_start3A_91, %dma_start3A_92] : memref<80x128xi32, #tpu.memory_space<hbm>> -> memref<40x128xi32, #tpu.memory_space<hbm>>
      tpu.enqueue_dma source(%dma_start3A_93 : memref<40x128xi32, #tpu.memory_space<hbm>>) target(%arg8 : memref<40x128xi32, #tpu.memory_space<vmem>>) target_semaphore(%run_scoped3A : memref<!tpu.dma_semaphore, #tpu.memory_space<semaphore_mem>>)
      %dma_wait3A = arith.constant 0 : i32
      %dma_wait3A_94 = arith.constant 0 : i32
      %dma_wait3A_95 = tpu.memref_slice %arg5[%add3A, %dma_wait3A, %dma_wait3A_94] : memref<32x80x128xi32, #tpu.memory_space<hbm>> -> memref<1x80x128xi32, #tpu.memory_space<hbm>>
      %dma_wait3A_96 = tpu.memref_squeeze %dma_wait3A_95 : memref<1x80x128xi32, #tpu.memory_space<hbm>> -> memref<80x128xi32, #tpu.memory_space<hbm>>
      %dma_wait3A_97 = arith.constant 40 : i32
      %dma_wait3A_98 = arith.constant 0 : i32
      %dma_wait3A_99 = tpu.memref_slice %dma_wait3A_96[%dma_wait3A_97, %dma_wait3A_98] : memref<80x128xi32, #tpu.memory_space<hbm>> -> memref<40x128xi32, #tpu.memory_space<hbm>>
      %dma_wait3A_100 = arith.constant 0 : i32
      %dma_wait3A_101 = arith.constant 0 : i32
      %dma_wait3A_102 = tpu.memref_slice %arg5[%add3A, %dma_wait3A_100, %dma_wait3A_101] : memref<32x80x128xi32, #tpu.memory_space<hbm>> -> memref<1x80x128xi32, #tpu.memory_space<hbm>>
      %dma_wait3A_103 = tpu.memref_squeeze %dma_wait3A_102 : memref<1x80x128xi32, #tpu.memory_space<hbm>> -> memref<80x128xi32, #tpu.memory_space<hbm>>
      %dma_wait3A_104 = arith.constant 40 : i32
      %dma_wait3A_105 = arith.constant 0 : i32
      %dma_wait3A_106 = tpu.memref_slice %dma_wait3A_103[%dma_wait3A_104, %dma_wait3A_105] : memref<80x128xi32, #tpu.memory_space<hbm>> -> memref<40x128xi32, #tpu.memory_space<hbm>>
      tpu.wait_dma2 semaphore(%run_scoped3A : memref<!tpu.dma_semaphore, #tpu.memory_space<semaphore_mem>>) src(%dma_wait3A_106 : memref<40x128xi32, #tpu.memory_space<hbm>>) dst(%arg8 : memref<40x128xi32, #tpu.memory_space<vmem>>)
      tpu.yield
    }) : () -> ()
    %dma_start3A_38 = arith.constant 0 : i32
    %dma_start3A_39 = arith.constant 0 : i32
    %dma_start3A_40 = arith.constant 0 : i32
    %dma_start3A_41 = arith.constant 0 : i32
    %dma_start3A_42 = arith.constant 0 : i32
    %dma_start3A_43 = tpu.memref_slice %arg9[%dma_start3A_39, %dma_start3A_41, %dma_start3A_42] : memref<2x128x128xf32, #tpu.memory_space<vmem>> -> memref<1x128x128xf32, #tpu.memory_space<vmem>>
    %dma_start3A_44 = tpu.memref_squeeze %dma_start3A_43 : memref<1x128x128xf32, #tpu.memory_space<vmem>> -> memref<128x128xf32, #tpu.memory_space<vmem>>
    %dma_start3A_45 = arith.constant 0 : i32
    %dma_start3A_46 = tpu.memref_slice %arg7[%dma_start3A_38, %dma_start3A_45] : memref<40x128xi32, #tpu.memory_space<vmem>> -> memref<1x128xi32, #tpu.memory_space<vmem>>
    %dma_start3A_47 = tpu.memref_squeeze %dma_start3A_46 : memref<1x128xi32, #tpu.memory_space<vmem>> -> memref<128xi32, #tpu.memory_space<vmem>>
    %dma_start3A_48 = arith.constant 0 : i32
    %dma_start3A_49 = arith.constant 0 : i32
    %dma_start3A_50 = tpu.memref_slice %arg2[%dma_start3A_48, %dma_start3A_49] : memref<10240x128xf32, #tpu.memory_space<hbm>> -> memref<10240x128xf32, #tpu.memory_space<hbm>>
    %dma_start3A_51 = tpu.memref_slice %arg11[%dma_start3A_40] : memref<2x!tpu.dma_semaphore, #tpu.memory_space<semaphore_mem>> -> memref<1x!tpu.dma_semaphore, #tpu.memory_space<semaphore_mem>>
    %dma_start3A_52 = tpu.memref_squeeze %dma_start3A_51 : memref<1x!tpu.dma_semaphore, #tpu.memory_space<semaphore_mem>> -> memref<!tpu.dma_semaphore, #tpu.memory_space<semaphore_mem>>
    tpu.enqueue_indirect_dma source(%dma_start3A_50 : memref<10240x128xf32, #tpu.memory_space<hbm>>) target(%dma_start3A_44 : memref<128x128xf32, #tpu.memory_space<vmem>>) offsets(%dma_start3A_47 : memref<128xi32, #tpu.memory_space<vmem>>) semaphore(%dma_start3A_52 : memref<!tpu.dma_semaphore, #tpu.memory_space<semaphore_mem>>)
    %dma_start3A_53 = arith.constant 1 : i32
    %dma_start3A_54 = arith.constant 1 : i32
    %dma_start3A_55 = arith.constant 1 : i32
    %dma_start3A_56 = arith.constant 0 : i32
    %dma_start3A_57 = arith.constant 0 : i32
    %dma_start3A_58 = tpu.memref_slice %arg9[%dma_start3A_54, %dma_start3A_56, %dma_start3A_57] : memref<2x128x128xf32, #tpu.memory_space<vmem>> -> memref<1x128x128xf32, #tpu.memory_space<vmem>>
    %dma_start3A_59 = tpu.memref_squeeze %dma_start3A_58 : memref<1x128x128xf32, #tpu.memory_space<vmem>> -> memref<128x128xf32, #tpu.memory_space<vmem>>
    %dma_start3A_60 = arith.constant 0 : i32
    %dma_start3A_61 = tpu.memref_slice %arg7[%dma_start3A_53, %dma_start3A_60] : memref<40x128xi32, #tpu.memory_space<vmem>> -> memref<1x128xi32, #tpu.memory_space<vmem>>
    %dma_start3A_62 = tpu.memref_squeeze %dma_start3A_61 : memref<1x128xi32, #tpu.memory_space<vmem>> -> memref<128xi32, #tpu.memory_space<vmem>>
    %dma_start3A_63 = arith.constant 0 : i32
    %dma_start3A_64 = arith.constant 0 : i32
    %dma_start3A_65 = tpu.memref_slice %arg2[%dma_start3A_63, %dma_start3A_64] : memref<10240x128xf32, #tpu.memory_space<hbm>> -> memref<10240x128xf32, #tpu.memory_space<hbm>>
    %dma_start3A_66 = tpu.memref_slice %arg11[%dma_start3A_55] : memref<2x!tpu.dma_semaphore, #tpu.memory_space<semaphore_mem>> -> memref<1x!tpu.dma_semaphore, #tpu.memory_space<semaphore_mem>>
    %dma_start3A_67 = tpu.memref_squeeze %dma_start3A_66 : memref<1x!tpu.dma_semaphore, #tpu.memory_space<semaphore_mem>> -> memref<!tpu.dma_semaphore, #tpu.memory_space<semaphore_mem>>
    tpu.enqueue_indirect_dma source(%dma_start3A_65 : memref<10240x128xf32, #tpu.memory_space<hbm>>) target(%dma_start3A_59 : memref<128x128xf32, #tpu.memory_space<vmem>>) offsets(%dma_start3A_62 : memref<128xi32, #tpu.memory_space<vmem>>) semaphore(%dma_start3A_67 : memref<!tpu.dma_semaphore, #tpu.memory_space<semaphore_mem>>)
    %scan3A_68 = arith.constant 0 : i32
    %scan3A_69 = arith.constant 0 : i32
    %scan3A_70 = arith.constant 20 : i32
    %scan3A_71 = arith.addi %scan3A_69, %scan3A_70 : i32
    %scan3A_72 = arith.constant 1 : i32
    %scan3A_73 = scf.for %scan3A_80 = %scan3A_69 to %scan3A_71 step %scan3A_72 iter_args(%scan3A_81 = %scan3A_68) -> (i32)  : i32 {
      %mul3A_82 = arith.constant 2 : i32
      %mul3A_83 = arith.muli %scan3A_80, %mul3A_82 : i32
      %add3A_84 = arith.constant 0 : i32
      %add3A_85 = arith.addi %mul3A_83, %add3A_84 : i32
      %dma_wait3A = arith.constant 0 : i32
      %dma_wait3A_86 = arith.constant 0 : i32
      %dma_wait3A_87 = arith.constant 0 : i32
      %dma_wait3A_88 = arith.constant 0 : i32
      %dma_wait3A_89 = tpu.memref_slice %arg9[%dma_wait3A, %dma_wait3A_87, %dma_wait3A_88] : memref<2x128x128xf32, #tpu.memory_space<vmem>> -> memref<1x128x128xf32, #tpu.memory_space<vmem>>
      %dma_wait3A_90 = tpu.memref_squeeze %dma_wait3A_89 : memref<1x128x128xf32, #tpu.memory_space<vmem>> -> memref<128x128xf32, #tpu.memory_space<vmem>>
      %dma_wait3A_91 = arith.constant 0 : i32
      %dma_wait3A_92 = tpu.memref_slice %arg7[%add3A_85, %dma_wait3A_91] : memref<40x128xi32, #tpu.memory_space<vmem>> -> memref<1x128xi32, #tpu.memory_space<vmem>>
      %dma_wait3A_93 = tpu.memref_squeeze %dma_wait3A_92 : memref<1x128xi32, #tpu.memory_space<vmem>> -> memref<128xi32, #tpu.memory_space<vmem>>
      %dma_wait3A_94 = arith.constant 0 : i32
      %dma_wait3A_95 = arith.constant 0 : i32
      %dma_wait3A_96 = tpu.memref_slice %arg2[%dma_wait3A_94, %dma_wait3A_95] : memref<10240x128xf32, #tpu.memory_space<hbm>> -> memref<10240x128xf32, #tpu.memory_space<hbm>>
      %dma_wait3A_97 = tpu.memref_slice %arg11[%dma_wait3A_86] : memref<2x!tpu.dma_semaphore, #tpu.memory_space<semaphore_mem>> -> memref<1x!tpu.dma_semaphore, #tpu.memory_space<semaphore_mem>>
      %dma_wait3A_98 = tpu.memref_squeeze %dma_wait3A_97 : memref<1x!tpu.dma_semaphore, #tpu.memory_space<semaphore_mem>> -> memref<!tpu.dma_semaphore, #tpu.memory_space<semaphore_mem>>
      tpu.wait_indirect_dma semaphore(%dma_wait3A_98 : memref<!tpu.dma_semaphore, #tpu.memory_space<semaphore_mem>>) src(%dma_wait3A_96 : memref<10240x128xf32, #tpu.memory_space<hbm>>) dst(%dma_wait3A_90 : memref<128x128xf32, #tpu.memory_space<vmem>>)
      %run_scoped3A = arith.constant 0 : i32
      "tpu.region"() ({
        %run_scoped3A_130 = tpu.sem_alloc : memref<!tpu.dma_semaphore, #tpu.memory_space<semaphore_mem>>
        %dma_start3A_131 = arith.constant 0 : i32
        %dma_start3A_132 = arith.constant 0 : i32
        %dma_start3A_133 = tpu.memref_slice %arg9[%run_scoped3A, %dma_start3A_131, %dma_start3A_132] : memref<2x128x128xf32, #tpu.memory_space<vmem>> -> memref<1x128x128xf32, #tpu.memory_space<vmem>>
        %dma_start3A_134 = tpu.memref_squeeze %dma_start3A_133 : memref<1x128x128xf32, #tpu.memory_space<vmem>> -> memref<128x128xf32, #tpu.memory_space<vmem>>
        %dma_start3A_135 = arith.constant 0 : i32
        %dma_start3A_136 = tpu.memref_slice %arg8[%add3A_85, %dma_start3A_135] : memref<40x128xi32, #tpu.memory_space<vmem>> -> memref<1x128xi32, #tpu.memory_space<vmem>>
        %dma_start3A_137 = tpu.memref_squeeze %dma_start3A_136 : memref<1x128xi32, #tpu.memory_space<vmem>> -> memref<128xi32, #tpu.memory_space<vmem>>
        %dma_start3A_138 = arith.constant 0 : i32
        %dma_start3A_139 = arith.constant 0 : i32
        %dma_start3A_140 = tpu.memref_slice %arg10[%dma_start3A_138, %dma_start3A_139] : memref<10240x128xf32, #tpu.memory_space<vmem_shared>> -> memref<10240x128xf32, #tpu.memory_space<vmem_shared>>
        tpu.enqueue_indirect_dma source(%dma_start3A_134 : memref<128x128xf32, #tpu.memory_space<vmem>>) target(%dma_start3A_140 : memref<10240x128xf32, #tpu.memory_space<vmem_shared>>) offsets(%dma_start3A_137 : memref<128xi32, #tpu.memory_space<vmem>>) semaphore(%run_scoped3A_130 : memref<!tpu.dma_semaphore, #tpu.memory_space<semaphore_mem>>) {add = true}
        %dma_wait3A_141 = arith.constant 0 : i32
        %dma_wait3A_142 = arith.constant 0 : i32
        %dma_wait3A_143 = tpu.memref_slice %arg9[%run_scoped3A, %dma_wait3A_141, %dma_wait3A_142] : memref<2x128x128xf32, #tpu.memory_space<vmem>> -> memref<1x128x128xf32, #tpu.memory_space<vmem>>
        %dma_wait3A_144 = tpu.memref_squeeze %dma_wait3A_143 : memref<1x128x128xf32, #tpu.memory_space<vmem>> -> memref<128x128xf32, #tpu.memory_space<vmem>>
        %dma_wait3A_145 = arith.constant 0 : i32
        %dma_wait3A_146 = tpu.memref_slice %arg8[%add3A_85, %dma_wait3A_145] : memref<40x128xi32, #tpu.memory_space<vmem>> -> memref<1x128xi32, #tpu.memory_space<vmem>>
        %dma_wait3A_147 = tpu.memref_squeeze %dma_wait3A_146 : memref<1x128xi32, #tpu.memory_space<vmem>> -> memref<128xi32, #tpu.memory_space<vmem>>
        %dma_wait3A_148 = arith.constant 0 : i32
        %dma_wait3A_149 = arith.constant 0 : i32
        %dma_wait3A_150 = tpu.memref_slice %arg10[%dma_wait3A_148, %dma_wait3A_149] : memref<10240x128xf32, #tpu.memory_space<vmem_shared>> -> memref<10240x128xf32, #tpu.memory_space<vmem_shared>>
        tpu.wait_indirect_dma semaphore(%run_scoped3A_130 : memref<!tpu.dma_semaphore, #tpu.memory_space<semaphore_mem>>) src(%dma_wait3A_144 : memref<128x128xf32, #tpu.memory_space<vmem>>) dst(%dma_wait3A_150 : memref<10240x128xf32, #tpu.memory_space<vmem_shared>>)
        tpu.yield
      }) : () -> ()
      %add3A_99 = arith.constant 2 : i32
      %add3A_100 = arith.addi %add3A_85, %add3A_99 : i32
      %lt3A = arith.constant 40 : i32
      %lt3A_101 = arith.cmpi slt, %add3A_100, %lt3A : i32
      %convert_element_type3A = arith.extui %lt3A_101 : i1 to i32
      %cond3A = arith.constant 0 : i32
      %cond3A_102 = arith.cmpi ne, %convert_element_type3A, %cond3A : i32
      scf.if %cond3A_102 {
        %dma_start3A_130 = arith.constant 0 : i32
        %dma_start3A_131 = arith.constant 0 : i32
        %dma_start3A_132 = arith.constant 0 : i32
        %dma_start3A_133 = arith.constant 0 : i32
        %dma_start3A_134 = tpu.memref_slice %arg9[%dma_start3A_130, %dma_start3A_132, %dma_start3A_133] : memref<2x128x128xf32, #tpu.memory_space<vmem>> -> memref<1x128x128xf32, #tpu.memory_space<vmem>>
        %dma_start3A_135 = tpu.memref_squeeze %dma_start3A_134 : memref<1x128x128xf32, #tpu.memory_space<vmem>> -> memref<128x128xf32, #tpu.memory_space<vmem>>
        %dma_start3A_136 = arith.constant 0 : i32
        %dma_start3A_137 = tpu.memref_slice %arg7[%add3A_100, %dma_start3A_136] : memref<40x128xi32, #tpu.memory_space<vmem>> -> memref<1x128xi32, #tpu.memory_space<vmem>>
        %dma_start3A_138 = tpu.memref_squeeze %dma_start3A_137 : memref<1x128xi32, #tpu.memory_space<vmem>> -> memref<128xi32, #tpu.memory_space<vmem>>
        %dma_start3A_139 = arith.constant 0 : i32
        %dma_start3A_140 = arith.constant 0 : i32
        %dma_start3A_141 = tpu.memref_slice %arg2[%dma_start3A_139, %dma_start3A_140] : memref<10240x128xf32, #tpu.memory_space<hbm>> -> memref<10240x128xf32, #tpu.memory_space<hbm>>
        %dma_start3A_142 = tpu.memref_slice %arg11[%dma_start3A_131] : memref<2x!tpu.dma_semaphore, #tpu.memory_space<semaphore_mem>> -> memref<1x!tpu.dma_semaphore, #tpu.memory_space<semaphore_mem>>
        %dma_start3A_143 = tpu.memref_squeeze %dma_start3A_142 : memref<1x!tpu.dma_semaphore, #tpu.memory_space<semaphore_mem>> -> memref<!tpu.dma_semaphore, #tpu.memory_space<semaphore_mem>>
        tpu.enqueue_indirect_dma source(%dma_start3A_141 : memref<10240x128xf32, #tpu.memory_space<hbm>>) target(%dma_start3A_135 : memref<128x128xf32, #tpu.memory_space<vmem>>) offsets(%dma_start3A_138 : memref<128xi32, #tpu.memory_space<vmem>>) semaphore(%dma_start3A_143 : memref<!tpu.dma_semaphore, #tpu.memory_space<semaphore_mem>>)
      } else {
      }
      %mul3A_103 = arith.constant 2 : i32
      %mul3A_104 = arith.muli %scan3A_80, %mul3A_103 : i32
      %add3A_105 = arith.constant 1 : i32
      %add3A_106 = arith.addi %mul3A_104, %add3A_105 : i32
      %dma_wait3A_107 = arith.constant 1 : i32
      %dma_wait3A_108 = arith.constant 1 : i32
      %dma_wait3A_109 = arith.constant 0 : i32
      %dma_wait3A_110 = arith.constant 0 : i32
      %dma_wait3A_111 = tpu.memref_slice %arg9[%dma_wait3A_107, %dma_wait3A_109, %dma_wait3A_110] : memref<2x128x128xf32, #tpu.memory_space<vmem>> -> memref<1x128x128xf32, #tpu.memory_space<vmem>>
      %dma_wait3A_112 = tpu.memref_squeeze %dma_wait3A_111 : memref<1x128x128xf32, #tpu.memory_space<vmem>> -> memref<128x128xf32, #tpu.memory_space<vmem>>
      %dma_wait3A_113 = arith.constant 0 : i32
      %dma_wait3A_114 = tpu.memref_slice %arg7[%add3A_106, %dma_wait3A_113] : memref<40x128xi32, #tpu.memory_space<vmem>> -> memref<1x128xi32, #tpu.memory_space<vmem>>
      %dma_wait3A_115 = tpu.memref_squeeze %dma_wait3A_114 : memref<1x128xi32, #tpu.memory_space<vmem>> -> memref<128xi32, #tpu.memory_space<vmem>>
      %dma_wait3A_116 = arith.constant 0 : i32
      %dma_wait3A_117 = arith.constant 0 : i32
      %dma_wait3A_118 = tpu.memref_slice %arg2[%dma_wait3A_116, %dma_wait3A_117] : memref<10240x128xf32, #tpu.memory_space<hbm>> -> memref<10240x128xf32, #tpu.memory_space<hbm>>
      %dma_wait3A_119 = tpu.memref_slice %arg11[%dma_wait3A_108] : memref<2x!tpu.dma_semaphore, #tpu.memory_space<semaphore_mem>> -> memref<1x!tpu.dma_semaphore, #tpu.memory_space<semaphore_mem>>
      %dma_wait3A_120 = tpu.memref_squeeze %dma_wait3A_119 : memref<1x!tpu.dma_semaphore, #tpu.memory_space<semaphore_mem>> -> memref<!tpu.dma_semaphore, #tpu.memory_space<semaphore_mem>>
      tpu.wait_indirect_dma semaphore(%dma_wait3A_120 : memref<!tpu.dma_semaphore, #tpu.memory_space<semaphore_mem>>) src(%dma_wait3A_118 : memref<10240x128xf32, #tpu.memory_space<hbm>>) dst(%dma_wait3A_112 : memref<128x128xf32, #tpu.memory_space<vmem>>)
      %run_scoped3A_121 = arith.constant 1 : i32
      "tpu.region"() ({
        %run_scoped3A_130 = tpu.sem_alloc : memref<!tpu.dma_semaphore, #tpu.memory_space<semaphore_mem>>
        %dma_start3A_131 = arith.constant 0 : i32
        %dma_start3A_132 = arith.constant 0 : i32
        %dma_start3A_133 = tpu.memref_slice %arg9[%run_scoped3A_121, %dma_start3A_131, %dma_start3A_132] : memref<2x128x128xf32, #tpu.memory_space<vmem>> -> memref<1x128x128xf32, #tpu.memory_space<vmem>>
        %dma_start3A_134 = tpu.memref_squeeze %dma_start3A_133 : memref<1x128x128xf32, #tpu.memory_space<vmem>> -> memref<128x128xf32, #tpu.memory_space<vmem>>
        %dma_start3A_135 = arith.constant 0 : i32
        %dma_start3A_136 = tpu.memref_slice %arg8[%add3A_106, %dma_start3A_135] : memref<40x128xi32, #tpu.memory_space<vmem>> -> memref<1x128xi32, #tpu.memory_space<vmem>>
        %dma_start3A_137 = tpu.memref_squeeze %dma_start3A_136 : memref<1x128xi32, #tpu.memory_space<vmem>> -> memref<128xi32, #tpu.memory_space<vmem>>
        %dma_start3A_138 = arith.constant 0 : i32
        %dma_start3A_139 = arith.constant 0 : i32
        %dma_start3A_140 = tpu.memref_slice %arg10[%dma_start3A_138, %dma_start3A_139] : memref<10240x128xf32, #tpu.memory_space<vmem_shared>> -> memref<10240x128xf32, #tpu.memory_space<vmem_shared>>
        tpu.enqueue_indirect_dma source(%dma_start3A_134 : memref<128x128xf32, #tpu.memory_space<vmem>>) target(%dma_start3A_140 : memref<10240x128xf32, #tpu.memory_space<vmem_shared>>) offsets(%dma_start3A_137 : memref<128xi32, #tpu.memory_space<vmem>>) semaphore(%run_scoped3A_130 : memref<!tpu.dma_semaphore, #tpu.memory_space<semaphore_mem>>) {add = true}
        %dma_wait3A_141 = arith.constant 0 : i32
        %dma_wait3A_142 = arith.constant 0 : i32
        %dma_wait3A_143 = tpu.memref_slice %arg9[%run_scoped3A_121, %dma_wait3A_141, %dma_wait3A_142] : memref<2x128x128xf32, #tpu.memory_space<vmem>> -> memref<1x128x128xf32, #tpu.memory_space<vmem>>
        %dma_wait3A_144 = tpu.memref_squeeze %dma_wait3A_143 : memref<1x128x128xf32, #tpu.memory_space<vmem>> -> memref<128x128xf32, #tpu.memory_space<vmem>>
        %dma_wait3A_145 = arith.constant 0 : i32
        %dma_wait3A_146 = tpu.memref_slice %arg8[%add3A_106, %dma_wait3A_145] : memref<40x128xi32, #tpu.memory_space<vmem>> -> memref<1x128xi32, #tpu.memory_space<vmem>>
        %dma_wait3A_147 = tpu.memref_squeeze %dma_wait3A_146 : memref<1x128xi32, #tpu.memory_space<vmem>> -> memref<128xi32, #tpu.memory_space<vmem>>
        %dma_wait3A_148 = arith.constant 0 : i32
        %dma_wait3A_149 = arith.constant 0 : i32
        %dma_wait3A_150 = tpu.memref_slice %arg10[%dma_wait3A_148, %dma_wait3A_149] : memref<10240x128xf32, #tpu.memory_space<vmem_shared>> -> memref<10240x128xf32, #tpu.memory_space<vmem_shared>>
        tpu.wait_indirect_dma semaphore(%run_scoped3A_130 : memref<!tpu.dma_semaphore, #tpu.memory_space<semaphore_mem>>) src(%dma_wait3A_144 : memref<128x128xf32, #tpu.memory_space<vmem>>) dst(%dma_wait3A_150 : memref<10240x128xf32, #tpu.memory_space<vmem_shared>>)
        tpu.yield
      }) : () -> ()
      %add3A_122 = arith.constant 2 : i32
      %add3A_123 = arith.addi %add3A_106, %add3A_122 : i32
      %lt3A_124 = arith.constant 40 : i32
      %lt3A_125 = arith.cmpi slt, %add3A_123, %lt3A_124 : i32
      %convert_element_type3A_126 = arith.extui %lt3A_125 : i1 to i32
      %cond3A_127 = arith.constant 0 : i32
      %cond3A_128 = arith.cmpi ne, %convert_element_type3A_126, %cond3A_127 : i32
      scf.if %cond3A_128 {
        %dma_start3A_130 = arith.constant 1 : i32
        %dma_start3A_131 = arith.constant 1 : i32
        %dma_start3A_132 = arith.constant 0 : i32
        %dma_start3A_133 = arith.constant 0 : i32
        %dma_start3A_134 = tpu.memref_slice %arg9[%dma_start3A_130, %dma_start3A_132, %dma_start3A_133] : memref<2x128x128xf32, #tpu.memory_space<vmem>> -> memref<1x128x128xf32, #tpu.memory_space<vmem>>
        %dma_start3A_135 = tpu.memref_squeeze %dma_start3A_134 : memref<1x128x128xf32, #tpu.memory_space<vmem>> -> memref<128x128xf32, #tpu.memory_space<vmem>>
        %dma_start3A_136 = arith.constant 0 : i32
        %dma_start3A_137 = tpu.memref_slice %arg7[%add3A_123, %dma_start3A_136] : memref<40x128xi32, #tpu.memory_space<vmem>> -> memref<1x128xi32, #tpu.memory_space<vmem>>
        %dma_start3A_138 = tpu.memref_squeeze %dma_start3A_137 : memref<1x128xi32, #tpu.memory_space<vmem>> -> memref<128xi32, #tpu.memory_space<vmem>>
        %dma_start3A_139 = arith.constant 0 : i32
        %dma_start3A_140 = arith.constant 0 : i32
        %dma_start3A_141 = tpu.memref_slice %arg2[%dma_start3A_139, %dma_start3A_140] : memref<10240x128xf32, #tpu.memory_space<hbm>> -> memref<10240x128xf32, #tpu.memory_space<hbm>>
        %dma_start3A_142 = tpu.memref_slice %arg11[%dma_start3A_131] : memref<2x!tpu.dma_semaphore, #tpu.memory_space<semaphore_mem>> -> memref<1x!tpu.dma_semaphore, #tpu.memory_space<semaphore_mem>>
        %dma_start3A_143 = tpu.memref_squeeze %dma_start3A_142 : memref<1x!tpu.dma_semaphore, #tpu.memory_space<semaphore_mem>> -> memref<!tpu.dma_semaphore, #tpu.memory_space<semaphore_mem>>
        tpu.enqueue_indirect_dma source(%dma_start3A_141 : memref<10240x128xf32, #tpu.memory_space<hbm>>) target(%dma_start3A_135 : memref<128x128xf32, #tpu.memory_space<vmem>>) offsets(%dma_start3A_138 : memref<128xi32, #tpu.memory_space<vmem>>) semaphore(%dma_start3A_143 : memref<!tpu.dma_semaphore, #tpu.memory_space<semaphore_mem>>)
      } else {
      }
      %scan3A_129 = arith.constant 0 : i32
      scf.yield %scan3A_129 : i32
    }
    %scan3A_74 = arith.constant 20 : i32
    %barrier3A_75 = arith.constant 0 : index
    tpu.barrier barrier_id(%barrier3A_75)
    %mul3A_76 = arith.constant 640 : i32
    %mul3A_77 = arith.muli %arg1, %mul3A_76 : i32
    %mul3A_78 = arith.constant 640 : i32
    %mul3A_79 = arith.muli %arg1, %mul3A_78 : i32
    "tpu.region"() ({
      %run_scoped3A = tpu.sem_alloc : memref<!tpu.dma_semaphore, #tpu.memory_space<semaphore_mem>>
      %dma_start3A_80 = arith.constant 0 : i32
      %dma_start3A_81 = arith.constant 0 : i32
      %dma_start3A_82 = tpu.memref_slice %arg6[%arg0, %dma_start3A_80, %dma_start3A_81] : memref<2x10240x128xf32, #tpu.memory_space<hbm>> -> memref<1x10240x128xf32, #tpu.memory_space<hbm>>
      %dma_start3A_83 = tpu.memref_squeeze %dma_start3A_82 : memref<1x10240x128xf32, #tpu.memory_space<hbm>> -> memref<10240x128xf32, #tpu.memory_space<hbm>>
      %dma_start3A_84 = arith.constant 0 : i32
      %dma_start3A_85 = tpu.memref_slice %dma_start3A_83[%mul3A_79, %dma_start3A_84] : memref<10240x128xf32, #tpu.memory_space<hbm>> -> memref<640x128xf32, #tpu.memory_space<hbm>>
      %dma_start3A_86 = arith.constant 0 : i32
      %dma_start3A_87 = tpu.memref_slice %arg10[%mul3A_77, %dma_start3A_86] : memref<10240x128xf32, #tpu.memory_space<vmem_shared>> -> memref<640x128xf32, #tpu.memory_space<vmem_shared>>
      tpu.enqueue_dma source(%dma_start3A_87 : memref<640x128xf32, #tpu.memory_space<vmem_shared>>) target(%dma_start3A_85 : memref<640x128xf32, #tpu.memory_space<hbm>>) target_semaphore(%run_scoped3A : memref<!tpu.dma_semaphore, #tpu.memory_space<semaphore_mem>>)
      %dma_wait3A = arith.constant 0 : i32
      %dma_wait3A_88 = arith.constant 0 : i32
      %dma_wait3A_89 = tpu.memref_slice %arg6[%arg0, %dma_wait3A, %dma_wait3A_88] : memref<2x10240x128xf32, #tpu.memory_space<hbm>> -> memref<1x10240x128xf32, #tpu.memory_space<hbm>>
      %dma_wait3A_90 = tpu.memref_squeeze %dma_wait3A_89 : memref<1x10240x128xf32, #tpu.memory_space<hbm>> -> memref<10240x128xf32, #tpu.memory_space<hbm>>
      %dma_wait3A_91 = arith.constant 0 : i32
      %dma_wait3A_92 = tpu.memref_slice %dma_wait3A_90[%mul3A_79, %dma_wait3A_91] : memref<10240x128xf32, #tpu.memory_space<hbm>> -> memref<640x128xf32, #tpu.memory_space<hbm>>
      %dma_wait3A_93 = arith.constant 0 : i32
      %dma_wait3A_94 = tpu.memref_slice %arg10[%mul3A_77, %dma_wait3A_93] : memref<10240x128xf32, #tpu.memory_space<vmem_shared>> -> memref<640x128xf32, #tpu.memory_space<vmem_shared>>
      tpu.wait_dma2 semaphore(%run_scoped3A : memref<!tpu.dma_semaphore, #tpu.memory_space<semaphore_mem>>) src(%dma_wait3A_94 : memref<640x128xf32, #tpu.memory_space<vmem_shared>>) dst(%dma_wait3A_92 : memref<640x128xf32, #tpu.memory_space<hbm>>)
      tpu.yield
    }) : () -> ()
    return
  }
}

#map = affine_map<(d0, d1) -> (0)>
#map1 = affine_map<(d0, d1) -> (0, 0, 0)>
#map2 = affine_map<(d0, d1) -> (0, 0)>
module attributes {stable_mosaic.version = 14 : i64} {
  func.func @k(%arg0: i32, %arg1: i32, %arg2: memref<10240xf32, #tpu.memory_space<hbm>>, %arg3: memref<32x80x128xi32, #tpu.memory_space<hbm>>, %arg4: memref<32x80x128xi32, #tpu.memory_space<hbm>>, %arg5: memref<2x10240xf32, #tpu.memory_space<hbm>>, %arg6: memref<80x128xi32, #tpu.memory_space<vmem>>, %arg7: memref<80x128xi32, #tpu.memory_space<vmem>>, %arg8: memref<10240xf32, #tpu.memory_space<vmem>>, %arg9: memref<128xf32, #tpu.memory_space<vmem>>, %arg10: memref<640xf32, #tpu.memory_space<vmem>>, %arg11: memref<10240xf32, #tpu.memory_space<vmem_shared>>) attributes {dimension_semantics = [#tpu.dimension_semantics<core_parallel>, #tpu.dimension_semantics<subcore_parallel>], iteration_bounds = array<i64: 2, 16>, scalar_prefetch = 0 : i64, scratch_operands = 6 : i64, tpu.core_type = #tpu.core_type<sc_vector_subcore>, window_params = [{transform_indices = #map}, {transform_indices = #map1}, {transform_indices = #map1}, {transform_indices = #map2}]} {
    %mul3A = arith.constant 16 : i32
    %mul3A_0 = arith.muli %arg0, %mul3A : i32
    %add3A = arith.addi %mul3A_0, %arg1 : i32
    %scan3A = arith.constant 0 : i32
    %scan3A_1 = arith.constant 0 : i32
    %scan3A_2 = arith.constant 40 : i32
    %scan3A_3 = arith.addi %scan3A_1, %scan3A_2 : i32
    %scan3A_4 = arith.constant 1 : i32
    %scan3A_5 = scf.for %scan3A_21 = %scan3A_1 to %scan3A_3 step %scan3A_4 iter_args(%scan3A_22 = %scan3A) -> (i32)  : i32 {
      %broadcast_in_dim3A = arith.constant 0.000000e+00 : f32
      %broadcast_in_dim3A_23 = vector.broadcast %broadcast_in_dim3A : f32 to vector<16xf32>
      %mul3A_24 = arith.constant 16 : i32
      %mul3A_25 = arith.muli %scan3A_21, %mul3A_24 : i32
      %swap3A = arith.index_cast %mul3A_25 : i32 to index
      %swap3A_26 = tpu.vector_load %arg10[%swap3A] {strides = array<i32>} : memref<640xf32, #tpu.memory_space<vmem>>, vector<16xf32>,
      tpu.vector_store %arg10[%swap3A], %broadcast_in_dim3A_23 {strides = array<i32>} : memref<640xf32, #tpu.memory_space<vmem>>, vector<16xf32>,
      %scan3A_27 = arith.constant 0 : i32
      scf.yield %scan3A_27 : i32
    }
    %scan3A_6 = arith.constant 40 : i32
    %mul3A_7 = arith.constant 640 : i32
    %mul3A_8 = arith.muli %arg1, %mul3A_7 : i32
    "tpu.region"() ({
      %run_scoped3A = tpu.sem_alloc : memref<!tpu.dma_semaphore, #tpu.memory_space<semaphore_mem>>
      %dma_start3A = tpu.memref_slice %arg11[%mul3A_8] : memref<10240xf32, #tpu.memory_space<vmem_shared>> -> memref<640xf32, #tpu.memory_space<vmem_shared>>
      %dma_start3A_21 = tpu.memref_slice %arg11[%mul3A_8] : memref<10240xf32, #tpu.memory_space<vmem_shared>> -> memref<640xf32, #tpu.memory_space<vmem_shared>>
      tpu.enqueue_dma source(%arg10 : memref<640xf32, #tpu.memory_space<vmem>>) target(%dma_start3A_21 : memref<640xf32, #tpu.memory_space<vmem_shared>>) target_semaphore(%run_scoped3A : memref<!tpu.dma_semaphore, #tpu.memory_space<semaphore_mem>>)
      %dma_wait3A = tpu.memref_slice %arg11[%mul3A_8] : memref<10240xf32, #tpu.memory_space<vmem_shared>> -> memref<640xf32, #tpu.memory_space<vmem_shared>>
      %dma_wait3A_22 = tpu.memref_slice %arg11[%mul3A_8] : memref<10240xf32, #tpu.memory_space<vmem_shared>> -> memref<640xf32, #tpu.memory_space<vmem_shared>>
      tpu.wait_dma2 semaphore(%run_scoped3A : memref<!tpu.dma_semaphore, #tpu.memory_space<semaphore_mem>>) src(%arg10 : memref<640xf32, #tpu.memory_space<vmem>>) dst(%dma_wait3A_22 : memref<640xf32, #tpu.memory_space<vmem_shared>>)
      tpu.yield
    }) : () -> ()
    "tpu.region"() ({
      %run_scoped3A = tpu.sem_alloc : memref<!tpu.dma_semaphore, #tpu.memory_space<semaphore_mem>>
      tpu.enqueue_dma source(%arg2 : memref<10240xf32, #tpu.memory_space<hbm>>) target(%arg8 : memref<10240xf32, #tpu.memory_space<vmem>>) target_semaphore(%run_scoped3A : memref<!tpu.dma_semaphore, #tpu.memory_space<semaphore_mem>>)
      tpu.wait_dma2 semaphore(%run_scoped3A : memref<!tpu.dma_semaphore, #tpu.memory_space<semaphore_mem>>) src(%arg2 : memref<10240xf32, #tpu.memory_space<hbm>>) dst(%arg8 : memref<10240xf32, #tpu.memory_space<vmem>>)
      tpu.yield
    }) : () -> ()
    "tpu.region"() ({
      %run_scoped3A = tpu.sem_alloc : memref<!tpu.dma_semaphore, #tpu.memory_space<semaphore_mem>>
      %dma_start3A = arith.constant 0 : i32
      %dma_start3A_21 = arith.constant 0 : i32
      %dma_start3A_22 = tpu.memref_slice %arg3[%add3A, %dma_start3A, %dma_start3A_21] : memref<32x80x128xi32, #tpu.memory_space<hbm>> -> memref<1x80x128xi32, #tpu.memory_space<hbm>>
      %dma_start3A_23 = tpu.memref_squeeze %dma_start3A_22 : memref<1x80x128xi32, #tpu.memory_space<hbm>> -> memref<80x128xi32, #tpu.memory_space<hbm>>
      %dma_start3A_24 = arith.constant 0 : i32
      %dma_start3A_25 = arith.constant 0 : i32
      %dma_start3A_26 = tpu.memref_slice %arg3[%add3A, %dma_start3A_24, %dma_start3A_25] : memref<32x80x128xi32, #tpu.memory_space<hbm>> -> memref<1x80x128xi32, #tpu.memory_space<hbm>>
      %dma_start3A_27 = tpu.memref_squeeze %dma_start3A_26 : memref<1x80x128xi32, #tpu.memory_space<hbm>> -> memref<80x128xi32, #tpu.memory_space<hbm>>
      tpu.enqueue_dma source(%dma_start3A_27 : memref<80x128xi32, #tpu.memory_space<hbm>>) target(%arg6 : memref<80x128xi32, #tpu.memory_space<vmem>>) target_semaphore(%run_scoped3A : memref<!tpu.dma_semaphore, #tpu.memory_space<semaphore_mem>>)
      %dma_wait3A = arith.constant 0 : i32
      %dma_wait3A_28 = arith.constant 0 : i32
      %dma_wait3A_29 = tpu.memref_slice %arg3[%add3A, %dma_wait3A, %dma_wait3A_28] : memref<32x80x128xi32, #tpu.memory_space<hbm>> -> memref<1x80x128xi32, #tpu.memory_space<hbm>>
      %dma_wait3A_30 = tpu.memref_squeeze %dma_wait3A_29 : memref<1x80x128xi32, #tpu.memory_space<hbm>> -> memref<80x128xi32, #tpu.memory_space<hbm>>
      %dma_wait3A_31 = arith.constant 0 : i32
      %dma_wait3A_32 = arith.constant 0 : i32
      %dma_wait3A_33 = tpu.memref_slice %arg3[%add3A, %dma_wait3A_31, %dma_wait3A_32] : memref<32x80x128xi32, #tpu.memory_space<hbm>> -> memref<1x80x128xi32, #tpu.memory_space<hbm>>
      %dma_wait3A_34 = tpu.memref_squeeze %dma_wait3A_33 : memref<1x80x128xi32, #tpu.memory_space<hbm>> -> memref<80x128xi32, #tpu.memory_space<hbm>>
      tpu.wait_dma2 semaphore(%run_scoped3A : memref<!tpu.dma_semaphore, #tpu.memory_space<semaphore_mem>>) src(%dma_wait3A_34 : memref<80x128xi32, #tpu.memory_space<hbm>>) dst(%arg6 : memref<80x128xi32, #tpu.memory_space<vmem>>)
      tpu.yield
    }) : () -> ()
    "tpu.region"() ({
      %run_scoped3A = tpu.sem_alloc : memref<!tpu.dma_semaphore, #tpu.memory_space<semaphore_mem>>
      %dma_start3A = arith.constant 0 : i32
      %dma_start3A_21 = arith.constant 0 : i32
      %dma_start3A_22 = tpu.memref_slice %arg4[%add3A, %dma_start3A, %dma_start3A_21] : memref<32x80x128xi32, #tpu.memory_space<hbm>> -> memref<1x80x128xi32, #tpu.memory_space<hbm>>
      %dma_start3A_23 = tpu.memref_squeeze %dma_start3A_22 : memref<1x80x128xi32, #tpu.memory_space<hbm>> -> memref<80x128xi32, #tpu.memory_space<hbm>>
      %dma_start3A_24 = arith.constant 0 : i32
      %dma_start3A_25 = arith.constant 0 : i32
      %dma_start3A_26 = tpu.memref_slice %arg4[%add3A, %dma_start3A_24, %dma_start3A_25] : memref<32x80x128xi32, #tpu.memory_space<hbm>> -> memref<1x80x128xi32, #tpu.memory_space<hbm>>
      %dma_start3A_27 = tpu.memref_squeeze %dma_start3A_26 : memref<1x80x128xi32, #tpu.memory_space<hbm>> -> memref<80x128xi32, #tpu.memory_space<hbm>>
      tpu.enqueue_dma source(%dma_start3A_27 : memref<80x128xi32, #tpu.memory_space<hbm>>) target(%arg7 : memref<80x128xi32, #tpu.memory_space<vmem>>) target_semaphore(%run_scoped3A : memref<!tpu.dma_semaphore, #tpu.memory_space<semaphore_mem>>)
      %dma_wait3A = arith.constant 0 : i32
      %dma_wait3A_28 = arith.constant 0 : i32
      %dma_wait3A_29 = tpu.memref_slice %arg4[%add3A, %dma_wait3A, %dma_wait3A_28] : memref<32x80x128xi32, #tpu.memory_space<hbm>> -> memref<1x80x128xi32, #tpu.memory_space<hbm>>
      %dma_wait3A_30 = tpu.memref_squeeze %dma_wait3A_29 : memref<1x80x128xi32, #tpu.memory_space<hbm>> -> memref<80x128xi32, #tpu.memory_space<hbm>>
      %dma_wait3A_31 = arith.constant 0 : i32
      %dma_wait3A_32 = arith.constant 0 : i32
      %dma_wait3A_33 = tpu.memref_slice %arg4[%add3A, %dma_wait3A_31, %dma_wait3A_32] : memref<32x80x128xi32, #tpu.memory_space<hbm>> -> memref<1x80x128xi32, #tpu.memory_space<hbm>>
      %dma_wait3A_34 = tpu.memref_squeeze %dma_wait3A_33 : memref<1x80x128xi32, #tpu.memory_space<hbm>> -> memref<80x128xi32, #tpu.memory_space<hbm>>
      tpu.wait_dma2 semaphore(%run_scoped3A : memref<!tpu.dma_semaphore, #tpu.memory_space<semaphore_mem>>) src(%dma_wait3A_34 : memref<80x128xi32, #tpu.memory_space<hbm>>) dst(%arg7 : memref<80x128xi32, #tpu.memory_space<vmem>>)
      tpu.yield
    }) : () -> ()
    %barrier3A = arith.constant 0 : index
    tpu.barrier barrier_id(%barrier3A)
    %scan3A_9 = arith.constant 0 : i32
    %scan3A_10 = arith.constant 0 : i32
    %scan3A_11 = arith.constant 80 : i32
    %scan3A_12 = arith.addi %scan3A_10, %scan3A_11 : i32
    %scan3A_13 = arith.constant 1 : i32
    %scan3A_14 = scf.for %scan3A_21 = %scan3A_10 to %scan3A_12 step %scan3A_13 iter_args(%scan3A_22 = %scan3A_9) -> (i32)  : i32 {
      %get3A = arith.index_cast %scan3A_21 : i32 to index
      %get3A_23 = arith.constant 0 : index
      %get3A_24 = tpu.vector_load %arg6[%get3A, %get3A_23] {strides = array<i32>} : memref<80x128xi32, #tpu.memory_space<vmem>>, vector<16xi32>,
      %gather3A = tpu.vector_load_idx %arg8[%get3A_24] : memref<10240xf32, #tpu.memory_space<vmem>>[vector<16xi32>], vector<16xf32>,
      %swap3A = arith.constant 0 : index
      %swap3A_25 = tpu.vector_load %arg9[%swap3A] {strides = array<i32>} : memref<128xf32, #tpu.memory_space<vmem>>, vector<16xf32>,
      tpu.vector_store %arg9[%swap3A], %gather3A {strides = array<i32>} : memref<128xf32, #tpu.memory_space<vmem>>, vector<16xf32>,
      %get3A_26 = arith.index_cast %scan3A_21 : i32 to index
      %get3A_27 = arith.constant 16 : index
      %get3A_28 = tpu.vector_load %arg6[%get3A_26, %get3A_27] {strides = array<i32>} : memref<80x128xi32, #tpu.memory_space<vmem>>, vector<16xi32>,
      %gather3A_29 = tpu.vector_load_idx %arg8[%get3A_28] : memref<10240xf32, #tpu.memory_space<vmem>>[vector<16xi32>], vector<16xf32>,
      %swap3A_30 = arith.constant 16 : index
      %swap3A_31 = tpu.vector_load %arg9[%swap3A_30] {strides = array<i32>} : memref<128xf32, #tpu.memory_space<vmem>>, vector<16xf32>,
      tpu.vector_store %arg9[%swap3A_30], %gather3A_29 {strides = array<i32>} : memref<128xf32, #tpu.memory_space<vmem>>, vector<16xf32>,
      %get3A_32 = arith.index_cast %scan3A_21 : i32 to index
      %get3A_33 = arith.constant 32 : index
      %get3A_34 = tpu.vector_load %arg6[%get3A_32, %get3A_33] {strides = array<i32>} : memref<80x128xi32, #tpu.memory_space<vmem>>, vector<16xi32>,
      %gather3A_35 = tpu.vector_load_idx %arg8[%get3A_34] : memref<10240xf32, #tpu.memory_space<vmem>>[vector<16xi32>], vector<16xf32>,
      %swap3A_36 = arith.constant 32 : index
      %swap3A_37 = tpu.vector_load %arg9[%swap3A_36] {strides = array<i32>} : memref<128xf32, #tpu.memory_space<vmem>>, vector<16xf32>,
      tpu.vector_store %arg9[%swap3A_36], %gather3A_35 {strides = array<i32>} : memref<128xf32, #tpu.memory_space<vmem>>, vector<16xf32>,
      %get3A_38 = arith.index_cast %scan3A_21 : i32 to index
      %get3A_39 = arith.constant 48 : index
      %get3A_40 = tpu.vector_load %arg6[%get3A_38, %get3A_39] {strides = array<i32>} : memref<80x128xi32, #tpu.memory_space<vmem>>, vector<16xi32>,
      %gather3A_41 = tpu.vector_load_idx %arg8[%get3A_40] : memref<10240xf32, #tpu.memory_space<vmem>>[vector<16xi32>], vector<16xf32>,
      %swap3A_42 = arith.constant 48 : index
      %swap3A_43 = tpu.vector_load %arg9[%swap3A_42] {strides = array<i32>} : memref<128xf32, #tpu.memory_space<vmem>>, vector<16xf32>,
      tpu.vector_store %arg9[%swap3A_42], %gather3A_41 {strides = array<i32>} : memref<128xf32, #tpu.memory_space<vmem>>, vector<16xf32>,
      %get3A_44 = arith.index_cast %scan3A_21 : i32 to index
      %get3A_45 = arith.constant 64 : index
      %get3A_46 = tpu.vector_load %arg6[%get3A_44, %get3A_45] {strides = array<i32>} : memref<80x128xi32, #tpu.memory_space<vmem>>, vector<16xi32>,
      %gather3A_47 = tpu.vector_load_idx %arg8[%get3A_46] : memref<10240xf32, #tpu.memory_space<vmem>>[vector<16xi32>], vector<16xf32>,
      %swap3A_48 = arith.constant 64 : index
      %swap3A_49 = tpu.vector_load %arg9[%swap3A_48] {strides = array<i32>} : memref<128xf32, #tpu.memory_space<vmem>>, vector<16xf32>,
      tpu.vector_store %arg9[%swap3A_48], %gather3A_47 {strides = array<i32>} : memref<128xf32, #tpu.memory_space<vmem>>, vector<16xf32>,
      %get3A_50 = arith.index_cast %scan3A_21 : i32 to index
      %get3A_51 = arith.constant 80 : index
      %get3A_52 = tpu.vector_load %arg6[%get3A_50, %get3A_51] {strides = array<i32>} : memref<80x128xi32, #tpu.memory_space<vmem>>, vector<16xi32>,
      %gather3A_53 = tpu.vector_load_idx %arg8[%get3A_52] : memref<10240xf32, #tpu.memory_space<vmem>>[vector<16xi32>], vector<16xf32>,
      %swap3A_54 = arith.constant 80 : index
      %swap3A_55 = tpu.vector_load %arg9[%swap3A_54] {strides = array<i32>} : memref<128xf32, #tpu.memory_space<vmem>>, vector<16xf32>,
      tpu.vector_store %arg9[%swap3A_54], %gather3A_53 {strides = array<i32>} : memref<128xf32, #tpu.memory_space<vmem>>, vector<16xf32>,
      %get3A_56 = arith.index_cast %scan3A_21 : i32 to index
      %get3A_57 = arith.constant 96 : index
      %get3A_58 = tpu.vector_load %arg6[%get3A_56, %get3A_57] {strides = array<i32>} : memref<80x128xi32, #tpu.memory_space<vmem>>, vector<16xi32>,
      %gather3A_59 = tpu.vector_load_idx %arg8[%get3A_58] : memref<10240xf32, #tpu.memory_space<vmem>>[vector<16xi32>], vector<16xf32>,
      %swap3A_60 = arith.constant 96 : index
      %swap3A_61 = tpu.vector_load %arg9[%swap3A_60] {strides = array<i32>} : memref<128xf32, #tpu.memory_space<vmem>>, vector<16xf32>,
      tpu.vector_store %arg9[%swap3A_60], %gather3A_59 {strides = array<i32>} : memref<128xf32, #tpu.memory_space<vmem>>, vector<16xf32>,
      %get3A_62 = arith.index_cast %scan3A_21 : i32 to index
      %get3A_63 = arith.constant 112 : index
      %get3A_64 = tpu.vector_load %arg6[%get3A_62, %get3A_63] {strides = array<i32>} : memref<80x128xi32, #tpu.memory_space<vmem>>, vector<16xi32>,
      %gather3A_65 = tpu.vector_load_idx %arg8[%get3A_64] : memref<10240xf32, #tpu.memory_space<vmem>>[vector<16xi32>], vector<16xf32>,
      %swap3A_66 = arith.constant 112 : index
      %swap3A_67 = tpu.vector_load %arg9[%swap3A_66] {strides = array<i32>} : memref<128xf32, #tpu.memory_space<vmem>>, vector<16xf32>,
      tpu.vector_store %arg9[%swap3A_66], %gather3A_65 {strides = array<i32>} : memref<128xf32, #tpu.memory_space<vmem>>, vector<16xf32>,
      "tpu.region"() ({
        %run_scoped3A = tpu.sem_alloc : memref<!tpu.dma_semaphore, #tpu.memory_space<semaphore_mem>>
        %dma_start3A = arith.constant 0 : i32
        %dma_start3A_69 = tpu.memref_slice %arg7[%scan3A_21, %dma_start3A] : memref<80x128xi32, #tpu.memory_space<vmem>> -> memref<1x128xi32, #tpu.memory_space<vmem>>
        %dma_start3A_70 = tpu.memref_squeeze %dma_start3A_69 : memref<1x128xi32, #tpu.memory_space<vmem>> -> memref<128xi32, #tpu.memory_space<vmem>>
        %dma_start3A_71 = arith.constant 0 : i32
        %dma_start3A_72 = tpu.memref_slice %arg11[%dma_start3A_71] : memref<10240xf32, #tpu.memory_space<vmem_shared>> -> memref<10240xf32, #tpu.memory_space<vmem_shared>>
        tpu.enqueue_indirect_dma source(%arg9 : memref<128xf32, #tpu.memory_space<vmem>>) target(%dma_start3A_72 : memref<10240xf32, #tpu.memory_space<vmem_shared>>) offsets(%dma_start3A_70 : memref<128xi32, #tpu.memory_space<vmem>>) semaphore(%run_scoped3A : memref<!tpu.dma_semaphore, #tpu.memory_space<semaphore_mem>>) {add = true}
        %dma_wait3A = arith.constant 0 : i32
        %dma_wait3A_73 = tpu.memref_slice %arg7[%scan3A_21, %dma_wait3A] : memref<80x128xi32, #tpu.memory_space<vmem>> -> memref<1x128xi32, #tpu.memory_space<vmem>>
        %dma_wait3A_74 = tpu.memref_squeeze %dma_wait3A_73 : memref<1x128xi32, #tpu.memory_space<vmem>> -> memref<128xi32, #tpu.memory_space<vmem>>
        %dma_wait3A_75 = arith.constant 0 : i32
        %dma_wait3A_76 = tpu.memref_slice %arg11[%dma_wait3A_75] : memref<10240xf32, #tpu.memory_space<vmem_shared>> -> memref<10240xf32, #tpu.memory_space<vmem_shared>>
        tpu.wait_indirect_dma semaphore(%run_scoped3A : memref<!tpu.dma_semaphore, #tpu.memory_space<semaphore_mem>>) src(%arg9 : memref<128xf32, #tpu.memory_space<vmem>>) dst(%dma_wait3A_76 : memref<10240xf32, #tpu.memory_space<vmem_shared>>)
        tpu.yield
      }) : () -> ()
      %scan3A_68 = arith.constant 0 : i32
      scf.yield %scan3A_68 : i32
    }
    %scan3A_15 = arith.constant 80 : i32
    %barrier3A_16 = arith.constant 0 : index
    tpu.barrier barrier_id(%barrier3A_16)
    %mul3A_17 = arith.constant 640 : i32
    %mul3A_18 = arith.muli %arg1, %mul3A_17 : i32
    "tpu.region"() ({
      %run_scoped3A = tpu.sem_alloc : memref<!tpu.dma_semaphore, #tpu.memory_space<semaphore_mem>>
      %dma_start3A = tpu.memref_slice %arg11[%mul3A_18] : memref<10240xf32, #tpu.memory_space<vmem_shared>> -> memref<640xf32, #tpu.memory_space<vmem_shared>>
      %dma_start3A_21 = tpu.memref_slice %arg11[%mul3A_18] : memref<10240xf32, #tpu.memory_space<vmem_shared>> -> memref<640xf32, #tpu.memory_space<vmem_shared>>
      tpu.enqueue_dma source(%dma_start3A_21 : memref<640xf32, #tpu.memory_space<vmem_shared>>) target(%arg10 : memref<640xf32, #tpu.memory_space<vmem>>) target_semaphore(%run_scoped3A : memref<!tpu.dma_semaphore, #tpu.memory_space<semaphore_mem>>)
      %dma_wait3A = tpu.memref_slice %arg11[%mul3A_18] : memref<10240xf32, #tpu.memory_space<vmem_shared>> -> memref<640xf32, #tpu.memory_space<vmem_shared>>
      %dma_wait3A_22 = tpu.memref_slice %arg11[%mul3A_18] : memref<10240xf32, #tpu.memory_space<vmem_shared>> -> memref<640xf32, #tpu.memory_space<vmem_shared>>
      tpu.wait_dma2 semaphore(%run_scoped3A : memref<!tpu.dma_semaphore, #tpu.memory_space<semaphore_mem>>) src(%dma_wait3A_22 : memref<640xf32, #tpu.memory_space<vmem_shared>>) dst(%arg10 : memref<640xf32, #tpu.memory_space<vmem>>)
      tpu.yield
    }) : () -> ()
    %mul3A_19 = arith.constant 640 : i32
    %mul3A_20 = arith.muli %arg1, %mul3A_19 : i32
    "tpu.region"() ({
      %run_scoped3A = tpu.sem_alloc : memref<!tpu.dma_semaphore, #tpu.memory_space<semaphore_mem>>
      %dma_start3A = arith.constant 0 : i32
      %dma_start3A_21 = tpu.memref_slice %arg5[%arg0, %dma_start3A] : memref<2x10240xf32, #tpu.memory_space<hbm>> -> memref<1x10240xf32, #tpu.memory_space<hbm>>
      %dma_start3A_22 = tpu.memref_squeeze %dma_start3A_21 : memref<1x10240xf32, #tpu.memory_space<hbm>> -> memref<10240xf32, #tpu.memory_space<hbm>>
      %dma_start3A_23 = tpu.memref_slice %dma_start3A_22[%mul3A_20] : memref<10240xf32, #tpu.memory_space<hbm>> -> memref<640xf32, #tpu.memory_space<hbm>>
      %dma_start3A_24 = arith.constant 0 : i32
      %dma_start3A_25 = tpu.memref_slice %arg5[%arg0, %dma_start3A_24] : memref<2x10240xf32, #tpu.memory_space<hbm>> -> memref<1x10240xf32, #tpu.memory_space<hbm>>
      %dma_start3A_26 = tpu.memref_squeeze %dma_start3A_25 : memref<1x10240xf32, #tpu.memory_space<hbm>> -> memref<10240xf32, #tpu.memory_space<hbm>>
      %dma_start3A_27 = tpu.memref_slice %dma_start3A_26[%mul3A_20] : memref<10240xf32, #tpu.memory_space<hbm>> -> memref<640xf32, #tpu.memory_space<hbm>>
      tpu.enqueue_dma source(%arg10 : memref<640xf32, #tpu.memory_space<vmem>>) target(%dma_start3A_27 : memref<640xf32, #tpu.memory_space<hbm>>) target_semaphore(%run_scoped3A : memref<!tpu.dma_semaphore, #tpu.memory_space<semaphore_mem>>)
      %dma_wait3A = arith.constant 0 : i32
      %dma_wait3A_28 = tpu.memref_slice %arg5[%arg0, %dma_wait3A] : memref<2x10240xf32, #tpu.memory_space<hbm>> -> memref<1x10240xf32, #tpu.memory_space<hbm>>
      %dma_wait3A_29 = tpu.memref_squeeze %dma_wait3A_28 : memref<1x10240xf32, #tpu.memory_space<hbm>> -> memref<10240xf32, #tpu.memory_space<hbm>>
      %dma_wait3A_30 = tpu.memref_slice %dma_wait3A_29[%mul3A_20] : memref<10240xf32, #tpu.memory_space<hbm>> -> memref<640xf32, #tpu.memory_space<hbm>>
      %dma_wait3A_31 = arith.constant 0 : i32
      %dma_wait3A_32 = tpu.memref_slice %arg5[%arg0, %dma_wait3A_31] : memref<2x10240xf32, #tpu.memory_space<hbm>> -> memref<1x10240xf32, #tpu.memory_space<hbm>>
      %dma_wait3A_33 = tpu.memref_squeeze %dma_wait3A_32 : memref<1x10240xf32, #tpu.memory_space<hbm>> -> memref<10240xf32, #tpu.memory_space<hbm>>
      %dma_wait3A_34 = tpu.memref_slice %dma_wait3A_33[%mul3A_20] : memref<10240xf32, #tpu.memory_space<hbm>> -> memref<640xf32, #tpu.memory_space<hbm>>
      tpu.wait_dma2 semaphore(%run_scoped3A : memref<!tpu.dma_semaphore, #tpu.memory_space<semaphore_mem>>) src(%arg10 : memref<640xf32, #tpu.memory_space<vmem>>) dst(%dma_wait3A_34 : memref<640xf32, #tpu.memory_space<hbm>>)
      tpu.yield
    }) : () -> ()
    return
  }
}

#map = affine_map<(d0, d1) -> (0, 0, 0)>
#map1 = affine_map<(d0, d1) -> (0, 0)>
module attributes {stable_mosaic.version = 14 : i64} {
  func.func @k(%arg0: i32, %arg1: i32, %arg2: memref<32x80x128xi32, #tpu.memory_space<hbm>>, %arg3: memref<2x10240xf32, #tpu.memory_space<hbm>>, %arg4: memref<80x128xi32, #tpu.memory_space<vmem>>, %arg5: memref<128xf32, #tpu.memory_space<vmem>>, %arg6: memref<640xf32, #tpu.memory_space<vmem>>, %arg7: memref<10240xf32, #tpu.memory_space<vmem_shared>>) attributes {dimension_semantics = [#tpu.dimension_semantics<core_parallel>, #tpu.dimension_semantics<subcore_parallel>], iteration_bounds = array<i64: 2, 16>, scalar_prefetch = 0 : i64, scratch_operands = 4 : i64, tpu.core_type = #tpu.core_type<sc_vector_subcore>, window_params = [{transform_indices = #map}, {transform_indices = #map1}]} {
    %mul3A = arith.constant 16 : i32
    %mul3A_0 = arith.muli %arg0, %mul3A : i32
    %add3A = arith.addi %mul3A_0, %arg1 : i32
    %scan3A = arith.constant 0 : i32
    %scan3A_1 = arith.constant 0 : i32
    %scan3A_2 = arith.constant 8 : i32
    %scan3A_3 = arith.addi %scan3A_1, %scan3A_2 : i32
    %scan3A_4 = arith.constant 1 : i32
    %scan3A_5 = scf.for %scan3A_28 = %scan3A_1 to %scan3A_3 step %scan3A_4 iter_args(%scan3A_29 = %scan3A) -> (i32)  : i32 {
      %broadcast_in_dim3A = arith.constant 1.000000e+00 : f32
      %broadcast_in_dim3A_30 = vector.broadcast %broadcast_in_dim3A : f32 to vector<16xf32>
      %mul3A_31 = arith.constant 16 : i32
      %mul3A_32 = arith.muli %scan3A_28, %mul3A_31 : i32
      %swap3A = arith.index_cast %mul3A_32 : i32 to index
      %swap3A_33 = tpu.vector_load %arg5[%swap3A] {strides = array<i32>} : memref<128xf32, #tpu.memory_space<vmem>>, vector<16xf32>,
      tpu.vector_store %arg5[%swap3A], %broadcast_in_dim3A_30 {strides = array<i32>} : memref<128xf32, #tpu.memory_space<vmem>>, vector<16xf32>,
      %scan3A_34 = arith.constant 0 : i32
      scf.yield %scan3A_34 : i32
    }
    %scan3A_6 = arith.constant 8 : i32
    %scan3A_7 = arith.constant 0 : i32
    %scan3A_8 = arith.constant 0 : i32
    %scan3A_9 = arith.constant 40 : i32
    %scan3A_10 = arith.addi %scan3A_8, %scan3A_9 : i32
    %scan3A_11 = arith.constant 1 : i32
    %scan3A_12 = scf.for %scan3A_28 = %scan3A_8 to %scan3A_10 step %scan3A_11 iter_args(%scan3A_29 = %scan3A_7) -> (i32)  : i32 {
      %broadcast_in_dim3A = arith.constant 0.000000e+00 : f32
      %broadcast_in_dim3A_30 = vector.broadcast %broadcast_in_dim3A : f32 to vector<16xf32>
      %mul3A_31 = arith.constant 16 : i32
      %mul3A_32 = arith.muli %scan3A_28, %mul3A_31 : i32
      %swap3A = arith.index_cast %mul3A_32 : i32 to index
      %swap3A_33 = tpu.vector_load %arg6[%swap3A] {strides = array<i32>} : memref<640xf32, #tpu.memory_space<vmem>>, vector<16xf32>,
      tpu.vector_store %arg6[%swap3A], %broadcast_in_dim3A_30 {strides = array<i32>} : memref<640xf32, #tpu.memory_space<vmem>>, vector<16xf32>,
      %scan3A_34 = arith.constant 0 : i32
      scf.yield %scan3A_34 : i32
    }
    %scan3A_13 = arith.constant 40 : i32
    %mul3A_14 = arith.constant 640 : i32
    %mul3A_15 = arith.muli %arg1, %mul3A_14 : i32
    "tpu.region"() ({
      %run_scoped3A = tpu.sem_alloc : memref<!tpu.dma_semaphore, #tpu.memory_space<semaphore_mem>>
      %dma_start3A = tpu.memref_slice %arg7[%mul3A_15] : memref<10240xf32, #tpu.memory_space<vmem_shared>> -> memref<640xf32, #tpu.memory_space<vmem_shared>>
      %dma_start3A_28 = tpu.memref_slice %arg7[%mul3A_15] : memref<10240xf32, #tpu.memory_space<vmem_shared>> -> memref<640xf32, #tpu.memory_space<vmem_shared>>
      tpu.enqueue_dma source(%arg6 : memref<640xf32, #tpu.memory_space<vmem>>) target(%dma_start3A_28 : memref<640xf32, #tpu.memory_space<vmem_shared>>) target_semaphore(%run_scoped3A : memref<!tpu.dma_semaphore, #tpu.memory_space<semaphore_mem>>)
      %dma_wait3A = tpu.memref_slice %arg7[%mul3A_15] : memref<10240xf32, #tpu.memory_space<vmem_shared>> -> memref<640xf32, #tpu.memory_space<vmem_shared>>
      %dma_wait3A_29 = tpu.memref_slice %arg7[%mul3A_15] : memref<10240xf32, #tpu.memory_space<vmem_shared>> -> memref<640xf32, #tpu.memory_space<vmem_shared>>
      tpu.wait_dma2 semaphore(%run_scoped3A : memref<!tpu.dma_semaphore, #tpu.memory_space<semaphore_mem>>) src(%arg6 : memref<640xf32, #tpu.memory_space<vmem>>) dst(%dma_wait3A_29 : memref<640xf32, #tpu.memory_space<vmem_shared>>)
      tpu.yield
    }) : () -> ()
    "tpu.region"() ({
      %run_scoped3A = tpu.sem_alloc : memref<!tpu.dma_semaphore, #tpu.memory_space<semaphore_mem>>
      %dma_start3A = arith.constant 0 : i32
      %dma_start3A_28 = arith.constant 0 : i32
      %dma_start3A_29 = tpu.memref_slice %arg2[%add3A, %dma_start3A, %dma_start3A_28] : memref<32x80x128xi32, #tpu.memory_space<hbm>> -> memref<1x80x128xi32, #tpu.memory_space<hbm>>
      %dma_start3A_30 = tpu.memref_squeeze %dma_start3A_29 : memref<1x80x128xi32, #tpu.memory_space<hbm>> -> memref<80x128xi32, #tpu.memory_space<hbm>>
      %dma_start3A_31 = arith.constant 0 : i32
      %dma_start3A_32 = arith.constant 0 : i32
      %dma_start3A_33 = tpu.memref_slice %arg2[%add3A, %dma_start3A_31, %dma_start3A_32] : memref<32x80x128xi32, #tpu.memory_space<hbm>> -> memref<1x80x128xi32, #tpu.memory_space<hbm>>
      %dma_start3A_34 = tpu.memref_squeeze %dma_start3A_33 : memref<1x80x128xi32, #tpu.memory_space<hbm>> -> memref<80x128xi32, #tpu.memory_space<hbm>>
      tpu.enqueue_dma source(%dma_start3A_34 : memref<80x128xi32, #tpu.memory_space<hbm>>) target(%arg4 : memref<80x128xi32, #tpu.memory_space<vmem>>) target_semaphore(%run_scoped3A : memref<!tpu.dma_semaphore, #tpu.memory_space<semaphore_mem>>)
      %dma_wait3A = arith.constant 0 : i32
      %dma_wait3A_35 = arith.constant 0 : i32
      %dma_wait3A_36 = tpu.memref_slice %arg2[%add3A, %dma_wait3A, %dma_wait3A_35] : memref<32x80x128xi32, #tpu.memory_space<hbm>> -> memref<1x80x128xi32, #tpu.memory_space<hbm>>
      %dma_wait3A_37 = tpu.memref_squeeze %dma_wait3A_36 : memref<1x80x128xi32, #tpu.memory_space<hbm>> -> memref<80x128xi32, #tpu.memory_space<hbm>>
      %dma_wait3A_38 = arith.constant 0 : i32
      %dma_wait3A_39 = arith.constant 0 : i32
      %dma_wait3A_40 = tpu.memref_slice %arg2[%add3A, %dma_wait3A_38, %dma_wait3A_39] : memref<32x80x128xi32, #tpu.memory_space<hbm>> -> memref<1x80x128xi32, #tpu.memory_space<hbm>>
      %dma_wait3A_41 = tpu.memref_squeeze %dma_wait3A_40 : memref<1x80x128xi32, #tpu.memory_space<hbm>> -> memref<80x128xi32, #tpu.memory_space<hbm>>
      tpu.wait_dma2 semaphore(%run_scoped3A : memref<!tpu.dma_semaphore, #tpu.memory_space<semaphore_mem>>) src(%dma_wait3A_41 : memref<80x128xi32, #tpu.memory_space<hbm>>) dst(%arg4 : memref<80x128xi32, #tpu.memory_space<vmem>>)
      tpu.yield
    }) : () -> ()
    %barrier3A = arith.constant 0 : index
    tpu.barrier barrier_id(%barrier3A)
    %scan3A_16 = arith.constant 0 : i32
    %scan3A_17 = arith.constant 0 : i32
    %scan3A_18 = arith.constant 80 : i32
    %scan3A_19 = arith.addi %scan3A_17, %scan3A_18 : i32
    %scan3A_20 = arith.constant 1 : i32
    %scan3A_21 = scf.for %scan3A_28 = %scan3A_17 to %scan3A_19 step %scan3A_20 iter_args(%scan3A_29 = %scan3A_16) -> (i32)  : i32 {
      "tpu.region"() ({
        %run_scoped3A = tpu.sem_alloc : memref<!tpu.dma_semaphore, #tpu.memory_space<semaphore_mem>>
        %dma_start3A = arith.constant 0 : i32
        %dma_start3A_31 = tpu.memref_slice %arg4[%scan3A_28, %dma_start3A] : memref<80x128xi32, #tpu.memory_space<vmem>> -> memref<1x128xi32, #tpu.memory_space<vmem>>
        %dma_start3A_32 = tpu.memref_squeeze %dma_start3A_31 : memref<1x128xi32, #tpu.memory_space<vmem>> -> memref<128xi32, #tpu.memory_space<vmem>>
        %dma_start3A_33 = arith.constant 0 : i32
        %dma_start3A_34 = tpu.memref_slice %arg7[%dma_start3A_33] : memref<10240xf32, #tpu.memory_space<vmem_shared>> -> memref<10240xf32, #tpu.memory_space<vmem_shared>>
        tpu.enqueue_indirect_dma source(%arg5 : memref<128xf32, #tpu.memory_space<vmem>>) target(%dma_start3A_34 : memref<10240xf32, #tpu.memory_space<vmem_shared>>) offsets(%dma_start3A_32 : memref<128xi32, #tpu.memory_space<vmem>>) semaphore(%run_scoped3A : memref<!tpu.dma_semaphore, #tpu.memory_space<semaphore_mem>>) {add = true}
        %dma_wait3A = arith.constant 0 : i32
        %dma_wait3A_35 = tpu.memref_slice %arg4[%scan3A_28, %dma_wait3A] : memref<80x128xi32, #tpu.memory_space<vmem>> -> memref<1x128xi32, #tpu.memory_space<vmem>>
        %dma_wait3A_36 = tpu.memref_squeeze %dma_wait3A_35 : memref<1x128xi32, #tpu.memory_space<vmem>> -> memref<128xi32, #tpu.memory_space<vmem>>
        %dma_wait3A_37 = arith.constant 0 : i32
        %dma_wait3A_38 = tpu.memref_slice %arg7[%dma_wait3A_37] : memref<10240xf32, #tpu.memory_space<vmem_shared>> -> memref<10240xf32, #tpu.memory_space<vmem_shared>>
        tpu.wait_indirect_dma semaphore(%run_scoped3A : memref<!tpu.dma_semaphore, #tpu.memory_space<semaphore_mem>>) src(%arg5 : memref<128xf32, #tpu.memory_space<vmem>>) dst(%dma_wait3A_38 : memref<10240xf32, #tpu.memory_space<vmem_shared>>)
        tpu.yield
      }) : () -> ()
      %scan3A_30 = arith.constant 0 : i32
      scf.yield %scan3A_30 : i32
    }
    %scan3A_22 = arith.constant 80 : i32
    %barrier3A_23 = arith.constant 0 : index
    tpu.barrier barrier_id(%barrier3A_23)
    %mul3A_24 = arith.constant 640 : i32
    %mul3A_25 = arith.muli %arg1, %mul3A_24 : i32
    "tpu.region"() ({
      %run_scoped3A = tpu.sem_alloc : memref<!tpu.dma_semaphore, #tpu.memory_space<semaphore_mem>>
      %dma_start3A = tpu.memref_slice %arg7[%mul3A_25] : memref<10240xf32, #tpu.memory_space<vmem_shared>> -> memref<640xf32, #tpu.memory_space<vmem_shared>>
      %dma_start3A_28 = tpu.memref_slice %arg7[%mul3A_25] : memref<10240xf32, #tpu.memory_space<vmem_shared>> -> memref<640xf32, #tpu.memory_space<vmem_shared>>
      tpu.enqueue_dma source(%dma_start3A_28 : memref<640xf32, #tpu.memory_space<vmem_shared>>) target(%arg6 : memref<640xf32, #tpu.memory_space<vmem>>) target_semaphore(%run_scoped3A : memref<!tpu.dma_semaphore, #tpu.memory_space<semaphore_mem>>)
      %dma_wait3A = tpu.memref_slice %arg7[%mul3A_25] : memref<10240xf32, #tpu.memory_space<vmem_shared>> -> memref<640xf32, #tpu.memory_space<vmem_shared>>
      %dma_wait3A_29 = tpu.memref_slice %arg7[%mul3A_25] : memref<10240xf32, #tpu.memory_space<vmem_shared>> -> memref<640xf32, #tpu.memory_space<vmem_shared>>
      tpu.wait_dma2 semaphore(%run_scoped3A : memref<!tpu.dma_semaphore, #tpu.memory_space<semaphore_mem>>) src(%dma_wait3A_29 : memref<640xf32, #tpu.memory_space<vmem_shared>>) dst(%arg6 : memref<640xf32, #tpu.memory_space<vmem>>)
      tpu.yield
    }) : () -> ()
    %mul3A_26 = arith.constant 640 : i32
    %mul3A_27 = arith.muli %arg1, %mul3A_26 : i32
    "tpu.region"() ({
      %run_scoped3A = tpu.sem_alloc : memref<!tpu.dma_semaphore, #tpu.memory_space<semaphore_mem>>
      %dma_start3A = arith.constant 0 : i32
      %dma_start3A_28 = tpu.memref_slice %arg3[%arg0, %dma_start3A] : memref<2x10240xf32, #tpu.memory_space<hbm>> -> memref<1x10240xf32, #tpu.memory_space<hbm>>
      %dma_start3A_29 = tpu.memref_squeeze %dma_start3A_28 : memref<1x10240xf32, #tpu.memory_space<hbm>> -> memref<10240xf32, #tpu.memory_space<hbm>>
      %dma_start3A_30 = tpu.memref_slice %dma_start3A_29[%mul3A_27] : memref<10240xf32, #tpu.memory_space<hbm>> -> memref<640xf32, #tpu.memory_space<hbm>>
      %dma_start3A_31 = arith.constant 0 : i32
      %dma_start3A_32 = tpu.memref_slice %arg3[%arg0, %dma_start3A_31] : memref<2x10240xf32, #tpu.memory_space<hbm>> -> memref<1x10240xf32, #tpu.memory_space<hbm>>
      %dma_start3A_33 = tpu.memref_squeeze %dma_start3A_32 : memref<1x10240xf32, #tpu.memory_space<hbm>> -> memref<10240xf32, #tpu.memory_space<hbm>>
      %dma_start3A_34 = tpu.memref_slice %dma_start3A_33[%mul3A_27] : memref<10240xf32, #tpu.memory_space<hbm>> -> memref<640xf32, #tpu.memory_space<hbm>>
      tpu.enqueue_dma source(%arg6 : memref<640xf32, #tpu.memory_space<vmem>>) target(%dma_start3A_34 : memref<640xf32, #tpu.memory_space<hbm>>) target_semaphore(%run_scoped3A : memref<!tpu.dma_semaphore, #tpu.memory_space<semaphore_mem>>)
      %dma_wait3A = arith.constant 0 : i32
      %dma_wait3A_35 = tpu.memref_slice %arg3[%arg0, %dma_wait3A] : memref<2x10240xf32, #tpu.memory_space<hbm>> -> memref<1x10240xf32, #tpu.memory_space<hbm>>
      %dma_wait3A_36 = tpu.memref_squeeze %dma_wait3A_35 : memref<1x10240xf32, #tpu.memory_space<hbm>> -> memref<10240xf32, #tpu.memory_space<hbm>>
      %dma_wait3A_37 = tpu.memref_slice %dma_wait3A_36[%mul3A_27] : memref<10240xf32, #tpu.memory_space<hbm>> -> memref<640xf32, #tpu.memory_space<hbm>>
      %dma_wait3A_38 = arith.constant 0 : i32
      %dma_wait3A_39 = tpu.memref_slice %arg3[%arg0, %dma_wait3A_38] : memref<2x10240xf32, #tpu.memory_space<hbm>> -> memref<1x10240xf32, #tpu.memory_space<hbm>>
      %dma_wait3A_40 = tpu.memref_squeeze %dma_wait3A_39 : memref<1x10240xf32, #tpu.memory_space<hbm>> -> memref<10240xf32, #tpu.memory_space<hbm>>
      %dma_wait3A_41 = tpu.memref_slice %dma_wait3A_40[%mul3A_27] : memref<10240xf32, #tpu.memory_space<hbm>> -> memref<640xf32, #tpu.memory_space<hbm>>
      tpu.wait_dma2 semaphore(%run_scoped3A : memref<!tpu.dma_semaphore, #tpu.memory_space<semaphore_mem>>) src(%arg6 : memref<640xf32, #tpu.memory_space<vmem>>) dst(%dma_wait3A_41 : memref<640xf32, #tpu.memory_space<hbm>>)
      tpu.yield
    }) : () -> ()
    return
  }
}

module attributes {stable_mosaic.version = 14 : i64} {
  func.func @body(%arg0: i32, %arg1: memref<2x32768xi32, #tpu.memory_space<vmem>>, %arg2: memref<32768xi32, #tpu.memory_space<vmem>>, %arg3: memref<32768xi32, #tpu.memory_space<vmem>>) attributes {dimension_semantics = [#tpu.dimension_semantics<arbitrary>], iteration_bounds = array<i64: 10>, scalar_prefetch = 0 : i64, scratch_operands = 0 : i64, tpu.core_type = #tpu.core_type<tc>, window_params = [{transform_indices = @transform_0, window_bounds = array<i64: 2, 32768>}, {transform_indices = @transform_1, window_bounds = array<i64: 32768>}, {transform_indices = @transform_2, window_bounds = array<i64: 32768>}]} {
    %iota3A = tpu.iota {dimensions = array<i32: 1>} : vector<1x32768xi32>
    %mul3A = arith.constant 32768 : i32
    %mul3A_0 = arith.muli %arg0, %mul3A : i32
    %add3A = vector.broadcast %mul3A_0 : i32 to vector<1x32768xi32>
    %add3A_1 = arith.addi %iota3A, %add3A : vector<1x32768xi32>
    %get3A = arith.constant 0 : index
    %get3A_2 = arith.constant 0 : index
    %get3A_3 = vector.load %arg1[%get3A, %get3A_2] : memref<2x32768xi32, #tpu.memory_space<vmem>>, vector<1x32768xi32>
    %get3A_4 = arith.constant 1 : index
    %get3A_5 = arith.constant 0 : index
    %get3A_6 = vector.load %arg1[%get3A_4, %get3A_5] : memref<2x32768xi32, #tpu.memory_space<vmem>>, vector<1x32768xi32>
    %sub3A = arith.constant 320000 : i32
    %sub3A_7 = vector.broadcast %sub3A : i32 to vector<1x32768xi32>
    %sub3A_8 = arith.subi %add3A_1, %sub3A_7 : vector<1x32768xi32>
    %lt3A = arith.constant 320000 : i32
    %lt3A_9 = vector.broadcast %lt3A : i32 to vector<1x32768xi32>
    %lt3A_10 = arith.cmpi slt, %add3A_1, %lt3A_9 : vector<1x32768xi32>
    %mul3A_11 = arith.constant 37 : i32
    %mul3A_12 = vector.broadcast %mul3A_11 : i32 to vector<1x32768xi32>
    %mul3A_13 = arith.muli %sub3A_8, %mul3A_12 : vector<1x32768xi32>
    %and3A = arith.constant 8191 : i32
    %and3A_14 = vector.broadcast %and3A : i32 to vector<1x32768xi32>
    %and3A_15 = arith.andi %mul3A_13, %and3A_14 : vector<1x32768xi32>
    %select_n3A = arith.select %lt3A_10, %get3A_3, %and3A_15 : vector<1x32768xi1>, vector<1x32768xi32>
    %lt3A_16 = arith.constant 320000 : i32
    %lt3A_17 = vector.broadcast %lt3A_16 : i32 to vector<1x32768xi32>
    %lt3A_18 = arith.cmpi slt, %add3A_1, %lt3A_17 : vector<1x32768xi32>
    %and3A_19 = arith.constant 127 : i32
    %and3A_20 = vector.broadcast %and3A_19 : i32 to vector<1x32768xi32>
    %and3A_21 = arith.andi %sub3A_8, %and3A_20 : vector<1x32768xi32>
    %add3A_22 = arith.constant 10000 : i32
    %add3A_23 = vector.broadcast %add3A_22 : i32 to vector<1x32768xi32>
    %add3A_24 = arith.addi %add3A_23, %and3A_21 : vector<1x32768xi32>
    %select_n3A_25 = arith.select %lt3A_18, %get3A_6, %add3A_24 : vector<1x32768xi1>, vector<1x32768xi32>
    %reshape3A = vector.shape_cast %select_n3A : vector<1x32768xi32> to vector<32768xi32>
    %swap3A = arith.constant 0 : index
    %swap3A_26 = vector.load %arg2[%swap3A] : memref<32768xi32, #tpu.memory_space<vmem>>, vector<32768xi32>
    tpu.vector_store %arg2[%swap3A], %reshape3A {strides = array<i32>} : memref<32768xi32, #tpu.memory_space<vmem>>, vector<32768xi32>,
    %reshape3A_27 = vector.shape_cast %select_n3A_25 : vector<1x32768xi32> to vector<32768xi32>
    %swap3A_28 = arith.constant 0 : index
    %swap3A_29 = vector.load %arg3[%swap3A_28] : memref<32768xi32, #tpu.memory_space<vmem>>, vector<32768xi32>
    tpu.vector_store %arg3[%swap3A_28], %reshape3A_27 {strides = array<i32>} : memref<32768xi32, #tpu.memory_space<vmem>>, vector<32768xi32>,
    return
  }
  func.func @transform_0(%arg0: i32) -> (i32, i32) {
    %min3A = arith.constant 9 : i32
    %min3A_0 = arith.minsi %arg0, %min3A : i32
    %c0_i32 = arith.constant 0 : i32
    %c0_i32_1 = arith.constant 0 : i32
    return %c0_i32, %min3A_0 : i32, i32
  }
  func.func @transform_1(%arg0: i32) -> i32 {
    %c0_i32 = arith.constant 0 : i32
    return %arg0 : i32
  }
  func.func @transform_2(%arg0: i32) -> i32 {
    %c0_i32 = arith.constant 0 : i32
    return %arg0 : i32
  }
}

module attributes {stable_mosaic.version = 14 : i64} {
  func.func @_scale_mm_body(%arg0: i32, %arg1: memref<1024x128xf32, #tpu.memory_space<vmem>>, %arg2: memref<128x128xf32, #tpu.memory_space<vmem>>, %arg3: memref<2x1024xf32, #tpu.memory_space<vmem>>, %arg4: memref<1024x128xf32, #tpu.memory_space<vmem>>, %arg5: memref<1024xf32, #tpu.memory_space<vmem>>) attributes {dimension_semantics = [#tpu.dimension_semantics<arbitrary>], iteration_bounds = array<i64: 10>, scalar_prefetch = 0 : i64, scratch_operands = 0 : i64, tpu.core_type = #tpu.core_type<tc>, window_params = [{transform_indices = @transform_0, window_bounds = array<i64: 1024, 128>}, {pipeline_mode = #tpu.pipeline_mode<synchronous>, transform_indices = @transform_1, window_bounds = array<i64: 128, 128>}, {transform_indices = @transform_2, window_bounds = array<i64: 2, 1024>}, {transform_indices = @transform_3, window_bounds = array<i64: 1024, 128>}, {transform_indices = @transform_4, window_bounds = array<i64: 1024>}]} {
    %get3A = arith.constant 0 : index
    %get3A_0 = arith.constant 0 : index
    %get3A_1 = vector.load %arg3[%get3A, %get3A_0] : memref<2x1024xf32, #tpu.memory_space<vmem>>, vector<1x1024xf32>
    %get3A_2 = vector.shape_cast %get3A_1 : vector<1x1024xf32> to vector<1024xf32>
    %add3A = arith.constant 1.000000e+00 : f32
    %add3A_3 = vector.broadcast %add3A : f32 to vector<1024xf32>
    %add3A_4 = arith.addf %add3A_3, %get3A_2 : vector<1024xf32>
    %get3A_5 = arith.constant 1 : index
    %get3A_6 = arith.constant 0 : index
    %get3A_7 = vector.load %arg3[%get3A_5, %get3A_6] : memref<2x1024xf32, #tpu.memory_space<vmem>>, vector<1x1024xf32>
    %get3A_8 = vector.shape_cast %get3A_7 : vector<1x1024xf32> to vector<1024xf32>
    %add3A_9 = arith.addf %add3A_4, %get3A_8 : vector<1024xf32>
    %rsqrt3A = math.rsqrt %add3A_9 : vector<1024xf32>
    %get3A_10 = arith.constant 0 : index
    %get3A_11 = arith.constant 0 : index
    %get3A_12 = vector.load %arg1[%get3A_10, %get3A_11] : memref<1024x128xf32, #tpu.memory_space<vmem>>, vector<1024x128xf32>
    %get3A_13 = arith.constant 0 : index
    %get3A_14 = arith.constant 0 : index
    %get3A_15 = vector.load %arg2[%get3A_13, %get3A_14] : memref<128x128xf32, #tpu.memory_space<vmem>>, vector<128x128xf32>
    %dot_general3A = arith.constant dense<0.000000e+00> : vector<1024x128xf32>
    %dot_general3A_16 = tpu.matmul %get3A_12, %get3A_15, %dot_general3A {dimension_numbers = #tpu.dot_dimension_numbers<[1], [0], [0], [1], [0, 0, 1, 1], [], []>, precision = #tpu.contract_precision<fp32>, transpose_lhs_hint = false} : vector<1024x128xf32>, vector<128x128xf32>, vector<1024x128xf32> -> vector<1024x128xf32>
    %reshape3A = vector.shape_cast %rsqrt3A : vector<1024xf32> to vector<1024x1xf32>
    %mul3A = vector.broadcast %reshape3A : vector<1024x1xf32> to vector<1024x128xf32>
    %mul3A_17 = arith.mulf %dot_general3A_16, %mul3A : vector<1024x128xf32>
    %swap3A = arith.constant 0 : index
    %swap3A_18 = arith.constant 0 : index
    %swap3A_19 = vector.load %arg4[%swap3A, %swap3A_18] : memref<1024x128xf32, #tpu.memory_space<vmem>>, vector<1024x128xf32>
    tpu.vector_store %arg4[%swap3A, %swap3A_18], %mul3A_17 {strides = array<i32>} : memref<1024x128xf32, #tpu.memory_space<vmem>>, vector<1024x128xf32>,
    %swap3A_20 = arith.constant 0 : index
    %swap3A_21 = vector.load %arg5[%swap3A_20] : memref<1024xf32, #tpu.memory_space<vmem>>, vector<1024xf32>
    tpu.vector_store %arg5[%swap3A_20], %rsqrt3A {strides = array<i32>} : memref<1024xf32, #tpu.memory_space<vmem>>, vector<1024xf32>,
    return
  }
  func.func @transform_0(%arg0: i32) -> (i32, i32) {
    %c0_i32 = arith.constant 0 : i32
    %c0_i32_0 = arith.constant 0 : i32
    return %arg0, %c0_i32 : i32, i32
  }
  func.func @transform_1(%arg0: i32) -> (i32, i32) {
    %c0_i32 = arith.constant 0 : i32
    %c0_i32_0 = arith.constant 0 : i32
    %c0_i32_1 = arith.constant 0 : i32
    return %c0_i32, %c0_i32_0 : i32, i32
  }
  func.func @transform_2(%arg0: i32) -> (i32, i32) {
    %c0_i32 = arith.constant 0 : i32
    %c0_i32_0 = arith.constant 0 : i32
    return %c0_i32, %arg0 : i32, i32
  }
  func.func @transform_3(%arg0: i32) -> (i32, i32) {
    %c0_i32 = arith.constant 0 : i32
    %c0_i32_0 = arith.constant 0 : i32
    return %arg0, %c0_i32 : i32, i32
  }
  func.func @transform_4(%arg0: i32) -> i32 {
    %c0_i32 = arith.constant 0 : i32
    return %arg0 : i32
  }
}

module attributes {stable_mosaic.version = 14 : i64} {
  func.func @_mid_body(%arg0: i32, %arg1: memref<2x1024x128xf32, #tpu.memory_space<vmem>>, %arg2: memref<1024x128xf32, #tpu.memory_space<vmem>>, %arg3: memref<1024xf32, #tpu.memory_space<vmem>>, %arg4: memref<1x128xf32, #tpu.memory_space<vmem>>, %arg5: memref<1x128xf32, #tpu.memory_space<vmem>>, %arg6: memref<1024xf32, #tpu.memory_space<vmem>>) attributes {dimension_semantics = [#tpu.dimension_semantics<arbitrary>], iteration_bounds = array<i64: 10>, scalar_prefetch = 0 : i64, scratch_operands = 0 : i64, tpu.core_type = #tpu.core_type<tc>, window_params = [{transform_indices = @transform_0, window_bounds = array<i64: 2, 1024, 128>}, {transform_indices = @transform_1, window_bounds = array<i64: 1024, 128>}, {transform_indices = @transform_2, window_bounds = array<i64: 1024>}, {pipeline_mode = #tpu.pipeline_mode<synchronous>, transform_indices = @transform_3, window_bounds = array<i64: 1, 128>}, {pipeline_mode = #tpu.pipeline_mode<synchronous>, transform_indices = @transform_4, window_bounds = array<i64: 1, 128>}, {transform_indices = @transform_5, window_bounds = array<i64: 1024>}]} {
    %get3A = arith.constant 0 : index
    %get3A_0 = arith.constant 0 : index
    %get3A_1 = arith.constant 0 : index
    %get3A_2 = vector.load %arg1[%get3A, %get3A_0, %get3A_1] : memref<2x1024x128xf32, #tpu.memory_space<vmem>>, vector<1x1024x128xf32>
    %get3A_3 = vector.shape_cast %get3A_2 : vector<1x1024x128xf32> to vector<1024x128xf32>
    %get3A_4 = arith.constant 1 : index
    %get3A_5 = arith.constant 0 : index
    %get3A_6 = arith.constant 0 : index
    %get3A_7 = vector.load %arg1[%get3A_4, %get3A_5, %get3A_6] : memref<2x1024x128xf32, #tpu.memory_space<vmem>>, vector<1x1024x128xf32>
    %get3A_8 = vector.shape_cast %get3A_7 : vector<1x1024x128xf32> to vector<1024x128xf32>
    %add3A = arith.addf %get3A_3, %get3A_8 : vector<1024x128xf32>
    %get3A_9 = arith.constant 0 : index
    %get3A_10 = arith.constant 0 : index
    %get3A_11 = vector.load %arg2[%get3A_9, %get3A_10] : memref<1024x128xf32, #tpu.memory_space<vmem>>, vector<1024x128xf32>
    %add3A_12 = arith.addf %add3A, %get3A_11 : vector<1024x128xf32>
    %get3A_13 = arith.constant 0 : index
    %get3A_14 = vector.load %arg3[%get3A_13] : memref<1024xf32, #tpu.memory_space<vmem>>, vector<1024xf32>
    %reshape3A = vector.shape_cast %get3A_14 : vector<1024xf32> to vector<1024x1xf32>
    %mul3A = vector.broadcast %reshape3A : vector<1024x1xf32> to vector<1024x128xf32>
    %mul3A_15 = arith.mulf %mul3A, %add3A_12 : vector<1024x128xf32>
    %get3A_16 = arith.constant 0 : index
    %get3A_17 = arith.constant 0 : index
    %get3A_18 = vector.load %arg4[%get3A_16, %get3A_17] : memref<1x128xf32, #tpu.memory_space<vmem>>, vector<1x128xf32>
    %add3A_19 = vector.broadcast %get3A_18 : vector<1x128xf32> to vector<1024x128xf32>
    %add3A_20 = arith.addf %mul3A_15, %add3A_19 : vector<1024x128xf32>
    %max3A = arith.constant 0.000000e+00 : f32
    %max3A_21 = vector.broadcast %max3A : f32 to vector<1024x128xf32>
    %max3A_22 = arith.maximumf %add3A_20, %max3A_21 : vector<1024x128xf32>
    %get3A_23 = arith.constant 0 : index
    %get3A_24 = arith.constant 0 : index
    %get3A_25 = vector.load %arg5[%get3A_23, %get3A_24] : memref<1x128xf32, #tpu.memory_space<vmem>>, vector<1x128xf32>
    %mul3A_26 = vector.broadcast %get3A_25 : vector<1x128xf32> to vector<1024x128xf32>
    %mul3A_27 = arith.mulf %max3A_22, %mul3A_26 : vector<1024x128xf32>
    %reduce_sum3A = arith.constant dense<0.000000e+00> : vector<1024xf32>
    %reduce_sum3A_28 = vector.multi_reduction <add>, %mul3A_27, %reduce_sum3A [1] : vector<1024x128xf32> to vector<1024xf32>
    %mul3A_29 = arith.mulf %get3A_14, %reduce_sum3A_28 : vector<1024xf32>
    %swap3A = arith.constant 0 : index
    %swap3A_30 = vector.load %arg6[%swap3A] : memref<1024xf32, #tpu.memory_space<vmem>>, vector<1024xf32>
    tpu.vector_store %arg6[%swap3A], %mul3A_29 {strides = array<i32>} : memref<1024xf32, #tpu.memory_space<vmem>>, vector<1024xf32>,
    return
  }
  func.func @transform_0(%arg0: i32) -> (i32, i32, i32) {
    %c0_i32 = arith.constant 0 : i32
    %c0_i32_0 = arith.constant 0 : i32
    %c0_i32_1 = arith.constant 0 : i32
    return %c0_i32, %arg0, %c0_i32_0 : i32, i32, i32
  }
  func.func @transform_1(%arg0: i32) -> (i32, i32) {
    %c0_i32 = arith.constant 0 : i32
    %c0_i32_0 = arith.constant 0 : i32
    return %arg0, %c0_i32 : i32, i32
  }
  func.func @transform_2(%arg0: i32) -> i32 {
    %c0_i32 = arith.constant 0 : i32
    return %arg0 : i32
  }
  func.func @transform_3(%arg0: i32) -> (i32, i32) {
    %c0_i32 = arith.constant 0 : i32
    %c0_i32_0 = arith.constant 0 : i32
    %c0_i32_1 = arith.constant 0 : i32
    return %c0_i32, %c0_i32_0 : i32, i32
  }
  func.func @transform_4(%arg0: i32) -> (i32, i32) {
    %c0_i32 = arith.constant 0 : i32
    %c0_i32_0 = arith.constant 0 : i32
    %c0_i32_1 = arith.constant 0 : i32
    return %c0_i32, %c0_i32_0 : i32, i32
  }
  func.func @transform_5(%arg0: i32) -> i32 {
    %c0_i32 = arith.constant 0 : i32
    return %arg0 : i32
  }
}

module attributes {stable_mosaic.version = 14 : i64} {
  func.func @_final_body(%arg0: i32, %arg1: memref<2x1024xf32, #tpu.memory_space<vmem>>, %arg2: memref<1024xf32, #tpu.memory_space<vmem>>, %arg3: memref<1024xf32, #tpu.memory_space<vmem>>, %arg4: memref<1xf32, #tpu.memory_space<vmem>>, %arg5: memref<1024x1xf32, #tpu.memory_space<vmem>>) attributes {dimension_semantics = [#tpu.dimension_semantics<arbitrary>], iteration_bounds = array<i64: 10>, scalar_prefetch = 0 : i64, scratch_operands = 0 : i64, tpu.core_type = #tpu.core_type<tc>, window_params = [{transform_indices = @transform_0, window_bounds = array<i64: 2, 1024>}, {transform_indices = @transform_1, window_bounds = array<i64: 1024>}, {transform_indices = @transform_2, window_bounds = array<i64: 1024>}, {pipeline_mode = #tpu.pipeline_mode<synchronous>, transform_indices = @transform_3, window_bounds = array<i64: 1>}, {transform_indices = @transform_4, window_bounds = array<i64: 1024, 1>}]} {
    %get3A = arith.constant 0 : index
    %get3A_0 = arith.constant 0 : index
    %get3A_1 = vector.load %arg1[%get3A, %get3A_0] : memref<2x1024xf32, #tpu.memory_space<vmem>>, vector<1x1024xf32>
    %get3A_2 = vector.shape_cast %get3A_1 : vector<1x1024xf32> to vector<1024xf32>
    %get3A_3 = arith.constant 1 : index
    %get3A_4 = arith.constant 0 : index
    %get3A_5 = vector.load %arg1[%get3A_3, %get3A_4] : memref<2x1024xf32, #tpu.memory_space<vmem>>, vector<1x1024xf32>
    %get3A_6 = vector.shape_cast %get3A_5 : vector<1x1024xf32> to vector<1024xf32>
    %add3A = arith.addf %get3A_2, %get3A_6 : vector<1024xf32>
    %get3A_7 = arith.constant 0 : index
    %get3A_8 = vector.load %arg2[%get3A_7] : memref<1024xf32, #tpu.memory_space<vmem>>, vector<1024xf32>
    %add3A_9 = arith.addf %add3A, %get3A_8 : vector<1024xf32>
    %get3A_10 = arith.constant 0 : index
    %get3A_11 = vector.load %arg3[%get3A_10] : memref<1024xf32, #tpu.memory_space<vmem>>, vector<1024xf32>
    %mul3A = arith.mulf %get3A_11, %add3A_9 : vector<1024xf32>
    %get3A_12 = arith.constant 0 : index
    %get3A_13 = vector.load %arg4[%get3A_12] : memref<1xf32, #tpu.memory_space<vmem>>, vector<1xf32>
    %get3A_14 = vector.extract %get3A_13[0] : f32 from vector<1xf32>
    %add3A_15 = vector.broadcast %get3A_14 : f32 to vector<1024xf32>
    %add3A_16 = arith.addf %mul3A, %add3A_15 : vector<1024xf32>
    %tanh3A = math.tanh %add3A_16 : vector<1024xf32>
    %reshape3A = vector.shape_cast %tanh3A : vector<1024xf32> to vector<1024x1xf32>
    %swap3A = arith.constant 0 : index
    %swap3A_17 = arith.constant 0 : index
    %swap3A_18 = vector.load %arg5[%swap3A, %swap3A_17] : memref<1024x1xf32, #tpu.memory_space<vmem>>, vector<1024x1xf32>
    tpu.vector_store %arg5[%swap3A, %swap3A_17], %reshape3A {strides = array<i32>} : memref<1024x1xf32, #tpu.memory_space<vmem>>, vector<1024x1xf32>,
    return
  }
  func.func @transform_0(%arg0: i32) -> (i32, i32) {
    %c0_i32 = arith.constant 0 : i32
    %c0_i32_0 = arith.constant 0 : i32
    return %c0_i32, %arg0 : i32, i32
  }
  func.func @transform_1(%arg0: i32) -> i32 {
    %c0_i32 = arith.constant 0 : i32
    return %arg0 : i32
  }
  func.func @transform_2(%arg0: i32) -> i32 {
    %c0_i32 = arith.constant 0 : i32
    return %arg0 : i32
  }
  func.func @transform_3(%arg0: i32) -> i32 {
    %c0_i32 = arith.constant 0 : i32
    %c0_i32_0 = arith.constant 0 : i32
    return %c0_i32 : i32
  }
  func.func @transform_4(%arg0: i32) -> (i32, i32) {
    %c0_i32 = arith.constant 0 : i32
    %c0_i32_0 = arith.constant 0 : i32
    return %arg0, %c0_i32 : i32, i32
  }
}

</mosaic_0001>

<sc_bundles>
// kernel: kernel.12.cloned.1.call-start
scs
__scs_entry_jumppad:
0x0: {  	(pc) =	sbr.rel $0x88, $3  }
0x1: {  	(tag) =	ssettag $0x0;
	lr =	simm.s32 $0x1  }
0x2: {  	[smem:$0x3F9B] =	sst lr;
	_ =	strace $0xD0000000  }
0x3: {  	_ = 	snop  }
0x4: {  	_ = 	snop  }
0x5: {  	_ = 	snop  }
0x6: {  	_ = 	snop  }
0x7: {  	_ = 	snop  }
__scs_overlays_trampoline_lowered:
0x8: {  	[smem:$0x3FAA] =	sst s0  }
0x9: {  	[smem:$0x3FAB] =	sst s1  }
0xa: {  	[smem:$0x3FAC] =	sst s2  }
0xb: {  	[smem:$0x3FAD] =	sst s3  }
0xc: {  	[smem:$0x3FAE] =	sst s4  }
0xd: {  	[smem:$0x3FAF] =	sst s5  }
0xe: {  	[smem:$0x3FB0] =	sst s6  }
0xf: {  	[smem:$0x3FB1] =	sst s7  }
0x10: {  	[smem:$0x3FB2] =	sst s8  }
0x11: {  	[smem:$0x3FB3] =	sst s9;
	s0 =	simm.s32 @!p0 $0x0  }
0x12: {  	s1 =	sld [smem:$0x3F99];
	s0 =	simm.s32 @p0 $0x1  }
0x13: {  	[smem:$0x3FB4] =	sst s0;
	s0 =	simm.s32 @!p1 $0x0  }
0x14: {  	s2 =	sld [smem:$0x3F98];
	s0 =	simm.s32 @p1 $0x1  }
0x15: {  	[smem:$0x3FB5] =	sst s0;
	s0 =	simm.s32 @!p2 $0x0  }
0x16: {  	s3 =	sld [smem:$0x3FDB];
	s0 =	simm.s32 @p2 $0x1  }
0x17: {  	s4 =	simm.s32 $0x1BF5;
	[smem:$0x3FB7] =	sst s0  }
0x18: {  	s0 =	sld [smem:$0x3F9A];
	_ =	swait.ge [sflag:s4], $0x0  }
0x19: {  	s7 =	sld [smem:$0x3F9B]  }
0x1a: {  	s8 =	sadd.s32 $0xFFFFE003, lr  }
0x1b: {  	s9 =	sadd.s32 $0xFFFFFEF7, lr;
	s5 =	simm.s32 $0xFFFFFFFF;
	p2 =	slt.u32 s8, $0xFFFFF086  }
0x1c: {  	p1 =	slt.u32 s9, $0xF7A;
	s5 =	simm.s32 @!p2 $0x0  }
0x1d: {  	s5 =	simm.s32 @p1 $0x1;
	p0 =	seq.s32 s7, s2  }
0x1e: {  	s7 =	smul.u32 @!p0 $0xF7A, s2;
	p2 =	seq.s32 @!p0 s5, $0x0  }
0x1f: {  	s9 =	smul.u32 $0xF7A, s1;
	s8 =	simm.s32 @!p0 $0x1BF5;
	p2 =	por !p2, p0  }
0x20: {  	[sflag:s8] =	ssyncset.s32 @!p0 $0xFFFFF086;
	s6 =	sadd.s32 @!p0 s3, s7;
	s7 =	simm.s32 @!p0 $0x108  }
0x21: {  	s3 =	sadd.s32 s3, s9;
	s6 =	sadd.s32 @!p0 $0x88, s6;
	s7 =	simm.s32 @p2 $0x1082  }
0x22: {  	[simem:s7], [sflag:s8] =	dma.local @!p0 [hbm:s6], $0xF7A  }
0x23: {  	s9 =	sor.u32 $0xD0000000, s2;
	s6 =	simm.s32 $0x108;
	_ =	swait.ge @!p0 [sflag:s8], $0x0  }
0x24: {  	s3 =	sadd.s32 $0x88, s3;
	s6 =	simm.s32 @!p1 $0x1082;
	[sflag:s4] =	ssyncset.s32 $0xFFFFF086  }
0x25: {  	[simem:s6], [sflag:s4] =	dma.local [hbm:s3], $0xF7A  }
0x26: {  	[smem:$0x3F9B] =	sst s1;
	(tag) =	ssettag s2;
	_ =	strace s9  }
0x27: {  	s1 =	sld [smem:$0x3FAB]  }
0x28: {  	s2 =	sld [smem:$0x3FAC]  }
0x29: {  	s4 =	sld [smem:$0x3FAE]  }
0x2a: {  	p0 =	seq.s32 s5, $0x0;
	s5 =	sld [smem:$0x3FAF]  }
0x2b: {  	s6 =	sld [smem:$0x3FB0]  }
0x2c: {  	s7 =	sld [smem:$0x3FB1]  }
0x2d: {  	s3 =	simm.s32 $0x108;
	s8 =	sld [smem:$0x3FB2]  }
0x2e: {  	s3 =	simm.s32 @!p0 $0x1082;
	s9 =	sld [smem:$0x3FB3]  }
0x2f: {  	lr =	sadd.s32 s0, s3;
	s0 =	sld [smem:$0x3FAA]  }
0x30: {  	s3 =	sld [smem:$0x3FAD]  }
0x31: {  	[smem:$0x3FB6] =	sst s10  }
0x32: {  	s10 =	sld [smem:$0x3FB4];
	_ =	sdelay $0x3  }
0x33: {  	p0 =	seq.s32 s10, $0x1;
	s10 =	sld [smem:$0x3FB6];
	_ =	sdelay $0x3  }
0x34: {  	[smem:$0x3FB6] =	sst s10  }
0x35: {  	s10 =	sld [smem:$0x3FB5];
	_ =	sdelay $0x3  }
0x36: {  	p1 =	seq.s32 s10, $0x1;
	s10 =	sld [smem:$0x3FB6];
	_ =	sdelay $0x3  }
0x37: {  	[smem:$0x3FB6] =	sst s10  }
0x38: {  	s10 =	sld [smem:$0x3FB7]  }
0x39: {  	_ = 	snop;
	(pc) =	sbr.ind lr, $3  }
0x3a: {  	_ = 	snop  }
0x3b: {  	_ = 	snop  }
0x3c: {  	p2 =	seq.s32 s10, $0x1;
	s10 =	sld [smem:$0x3FB6]  }
0x3d: {  	_ =	shalt  }
0x3e: {  	_ =	shalt  }
0x3f: {  	_ =	shalt  }
0x40: {  	_ =	shalt  }
0x41: {  	_ =	shalt  }
0x42: {  	_ =	shalt  }
0x43: {  	_ =	shalt  }
0x44: {  	_ =	shalt  }
0x45: {  	_ =	shalt  }
0x46: {  	_ =	shalt  }
0x47: {  	_ =	shalt  }
0x48: {  	_ =	shalt  }
0x49: {  	_ =	shalt  }
0x4a: {  	_ =	shalt  }
0x4b: {  	_ =	shalt  }
0x4c: {  	_ =	shalt  }
0x4d: {  	_ =	shalt  }
0x4e: {  	_ =	shalt  }
0x4f: {  	_ =	shalt  }
0x50: {  	_ =	shalt  }
0x51: {  	_ =	shalt  }
0x52: {  	_ =	shalt  }
0x53: {  	_ =	shalt  }
0x54: {  	_ =	shalt  }
0x55: {  	_ =	shalt  }
0x56: {  	_ =	shalt  }
0x57: {  	_ =	shalt  }
0x58: {  	_ =	shalt  }
0x59: {  	_ =	shalt  }
0x5a: {  	_ =	shalt  }
0x5b: {  	_ =	shalt  }
0x5c: {  	_ =	shalt  }
0x5d: {  	_ =	shalt  }
0x5e: {  	_ =	shalt  }
0x5f: {  	_ =	shalt  }
0x60: {  	_ =	shalt  }
0x61: {  	_ =	shalt  }
0x62: {  	_ =	shalt  }
0x63: {  	_ =	shalt  }
0x64: {  	_ =	shalt  }
0x65: {  	_ =	shalt  }
0x66: {  	_ =	shalt  }
0x67: {  	_ =	shalt  }
0x68: {  	_ =	shalt  }
0x69: {  	_ =	shalt  }
0x6a: {  	_ =	shalt  }
0x6b: {  	_ =	shalt  }
0x6c: {  	_ =	shalt  }
0x6d: {  	_ =	shalt  }
0x6e: {  	_ =	shalt  }
0x6f: {  	_ =	shalt  }
0x70: {  	_ =	shalt  }
0x71: {  	_ =	shalt  }
0x72: {  	_ =	shalt  }
0x73: {  	_ =	shalt  }
0x74: {  	_ =	shalt  }
0x75: {  	_ =	shalt  }
0x76: {  	_ =	shalt  }
0x77: {  	_ =	shalt  }
0x78: {  	_ =	shalt  }
0x79: {  	_ =	shalt  }
0x7a: {  	_ =	shalt  }
0x7b: {  	_ =	shalt  }
0x7c: {  	_ =	shalt  }
0x7d: {  	_ =	shalt  }
0x7e: {  	_ =	shalt  }
0x7f: {  	_ =	shalt  }
0x80: {  	_ =	shalt  }
0x81: {  	_ =	shalt  }
0x82: {  	_ =	shalt  }
0x83: {  	_ =	shalt  }
0x84: {  	_ =	shalt  }
0x85: {  	_ =	shalt  }
0x86: {  	_ =	shalt  }
0x87: {  	_ =	shalt  }
.Lfunc_end0:
.L_simem_size_0:
called_computation.1_lowered:
.L_overlay_start_0:
0x88: {  	s2 =	sld [smem:$0x3FD9]  }
0x89: {  	s3 =	sld [smem:$0x3FFE];
	_ =	sdelay $0x1  }
0x8a: {  	s1 =	srdreg.scid  }
0x8b: {  	s0 =	sand.u32 $0x1, s1  }
0x8c: {  	s16 =	sshll.u32 s0, $0xA;
	s2 =	sadd.s32 s3, s2  }
0x8d: {  	s2 =	sadd.s32 s2, s16  }
0x8e: {  	[smem:$0x3FC2] =	sst s2  }
0x8f: {  	_ = 	snop  }
0x90: {  	(tm) =	ssettm $0x1  }
0x91: {  	s17 =	sld [smem:$0x3FFB];
	_ =	sdelay $0x3  }
0x92: {  	_ =	strace s17  }
0x93: {  	s2 =	sld [smem:$0x3FFC];
	_ =	sdelay $0x3  }
0x94: {  	_ =	strace s2  }
0x95: {  	s2 =	sld [smem:$0x3FFD];
	_ =	sdelay $0x3  }
0x96: {  	_ =	strace s2  }
0x97: {  	_ =	strace $0x8FFFFFFF  }
0x98: {  	s18 =	sld [smem:$0x3FDB];
	_ =	sdelay $0x1  }
0x99: {  	s19 =	simm.s32 $_scs_section_size  }
0x9a: {  	s4 =	simm.s32 $_size__tile_overlayer_lowered;
	s5 =	simm.s32 $_tile_overlayer_lowered  }
0x9b: {  	s22 =	simm.s32 $0x1BFF;
	s21 =	sshll.u32 s5, $0x1;
	s2 =	sadd.s32 s19, s18  }
0x9c: {  	s6 =	simm.s32 $0x0;
	s20 =	sshll.u32 s4, $0x1;
	s4 =	sadd.s32 s21, s2  }
0x9d: {  	[timem:s6], [sflag:s22] =	dma.local [hbm:s4], s20  }
0x9e: {  	_ =	swait.ge [sflag:s22], s20  }
0x9f: {  	s3 =	ssub.s32 $0x0, s20;
	[sflag:s22] =	ssyncset.done $0x0  }
0xa0: {  	[sflag:s22] =	ssyncadd.s32 s3;
	_ =	sdelay $0x1  }
0xa1: {  	s23 =	simm.s32 $0x1B8B  }
0xa2: {  	_ =	swait.ge [sflag:s23], $0x1  }
0xa3: {  	[sflag:s23] =	ssyncset.done $0x0  }
0xa4: {  	s25 =	simm.s32 $0x1B8E;
	s24 =	sld [smem:$0x3FFE];
	[sflag:s23] =	ssyncadd.s32 $0xFFFFFFFF  }
0xa5: {  	s26 =	simm.s32 $execute0_lowered;
	[smem:$0x3FD2] =	sst s25  }
0xa6: {  	s4 =	sshll.u32 s26, $0x1;
	_ =	strace $0x80000049;
	[dreg:$0x1] =	wrdreg $0xFFFFFFFF  }
0xa7: {  	s28 =	simm.s32 $_size_execute0_lowered;
	s2 =	sadd.s32 s2, s4;
	[dreg:$0x0] =	wrdreg $0x0  }
0xa8: {  	s4 =	sshll.u32 s28, $0x1;
	[dreg:$0x2] =	wrdreg s2  }
0xa9: {  	[dreg:$0x3] =	wrdreg s4  }
0xaa: {  	[dreg:$0x4] =	wrdreg $0xC0  }
0xab: {  	_ =	task [dreg:s6], $0x5FFFF  }
0xac: {  	[dreg:$0x1] =	wrdreg $0xFFFFFFFF  }
0xad: {  	[dreg:$0x0] =	wrdreg $0x60  }
0xae: {  	[dreg:$0x2] =	wrdreg s24  }
0xaf: {  	[dreg:$0x3] =	wrdreg $0xA8000  }
0xb0: {  	[dreg:$0x4] =	wrdreg $0x9  }
0xb1: {  	_ =	task.clear_ibuf [dreg:s6], $0x5FFFF;
	_ =	strace $0x90000049  }
0xb2: {  	s29 =	simm.s32 $0x9;
	_ =	strace $0x8000004B  }
0xb3: {  	_ =	swait.ge [sflag:s29], $0x1  }
0xb4: {  	[sflag:s29] =	ssyncadd.s32 $0xFFFFFFFF  }
0xb5: {  	_ =	strace $0x9000004B  }
0xb6: {  	_ =	sfence  }
0xb7: {  	s30 =	sld [smem:$0x0];
	_ =	sdelay $0x2  }
0xb8: {  	s31 =	sshll.u32 s1, $0xD;
	s1 =	sshrl.u32 s1, $0x2  }
0xb9: {  	s3 =	sand.u32 $0x4000, s31;
	s1 =	sadd.s32 s1, s30  }
0xba: {  	s0 =	sor.u32 s3, s0;
	s1 =	sshll.u32 s1, $0x11  }
0xbb: {  	s0 =	sor.u32 s1, s0  }
0xbc: {  	s0 =	sadd.s32 $0x8F2B, s0  }
0xbd: {  	[sflag:s0] =	ssyncadd.remote.s32 $0x1  }
0xbe: {  	_ =	sfence.sel $0xFFFF  }
0xbf: {  	[dreg:$0x0] =	wrdreg $0xFFFFFFFF;
	(pc) =	sbr.abs _section_cstart, $3  }
0xc0: {  	[dreg:$0x1] =	wrdreg $0xFFFFFFFF  }
0xc1: {  	_ =	task.clear_ibuf [dreg:s6], $0x2FFFF;
	_ =	strace $0x9FFFFFFF  }
0xc2: {  	(tm) =	ssettm $0x7FFFFFFF  }
0xc3: {  	_ =	shalt  }
tec
execute0_lowered:
.L_overlay_start_1:
0x0: {  	(tag) =	ssettag $0x1  }
0x1: {  	s0 =	srdreg.scid;
	s6 =	rddreg [dreg:$0x0]  }
0x2: {  	s2 =	rddreg [dreg:$0x1];
	s1 =	stileid.u32;
	s3 =	simm.s32 $0x0  }
0x3: {  	s12 =	simm.s32 $0x1400;
	s13 =	simm.s32 $0x80;
	s14 =	simm.s32 $0x2800  }
0x4: {  	s15 =	simm.s32 $0x6800;
	s16 =	simm.s32 $0x1;
	s17 =	simm.s32 $0x2  }
0x5: {  	s18 =	simm.s32 $0x2700;
	s7 =	sand.u32 $0x1, s0;
	s0 =	rddreg [dreg:$0x2]  }
0x6: {  	s19 =	simm.s32 $0x2780;
	[smem:$0x7FF] =	sst s3;
	s10 =	smul.u32 $0x50000, s1  }
0x7: {  	s5 =	sadd.s32 $0x3EC00, s6;
	s31 =	sshll.u32 s1, $0x6;
	s23 =	smul.u32 $0x2800, s1  }
0x8: {  	s4 =	sshll.u32 s7, $0x4;
	s9 =	smul.u32 $0x28000, s7;
	s7 =	ssub.s32 $0x2, s7  }
0x9: {  	_ =	strace $0x8000004A;
	s4 =	sor.u32 s1, s4;
	s29 =	sshrl.u32 s7, $0x1  }
0xa: {  	s30 =	sshrl.u32 s10, $0x2;
	s8 =	smul.u32 $0x500, s4;
	s4 =	sadd.s32 $0x16C00, s6  }
0xb: {  	s9 =	sadd.s32 s9, s6;
	s11 =	ssub.s32 s7, s29;
	s10 =	sadd.s32 s30, s2  }
0xc: {  	s22 =	sadd.s32 $0x41400, s9;
	s9 =	smax.u32 s11, $0x1;
	s10 =	sshrl.u32 s10, $0x3  }
0xd: {  	s11 =	simm.s32 $0x3;
	s8 =	sadd.s32 s8, s6;
	s6 =	sor.u32 $0x1C03, s31  }
0xe: {  	s22 =	sadd.s32 s23, s22;
	s7 =	sadd.s32 $0xCC00, s8;
	s8 =	sadd.s32 $0x2C00, s8  }
0xf: {  	s23 =	simm.s32 $0x0;
	s20 =	sadd.s32 $0x280, s7;
	s21 =	sadd.s32 $0x280, s8  }
.LBB2_1:
0x10: {  	[spmem:s10], [sflag:s6] =	dma.local [hbm:s5], $0x2800  }
0x11: {  	_ =	swait.ge [sflag:s11], $0x2800  }
0x12: {  	[sflag:s11] =	ssyncset.done $0x0  }
0x13: {  	[sflag:s11] =	ssyncadd.s32 $0xFFFFD800  }
0x14: {  	[bflag:$0x0] =	sbarrier.arrive $0xFFFF  }
0x15: {  	[tilespmem:s3], [sflag:$0x3] =	stream.linear.gather [hbm4b:s7+s3], $0x1400, $0x38;
	[tilespmem:$0x1E800] =	vst v63  }
0x16: {  	_ =	swait.ge [sflag:s11], $0x1400  }
0x17: {  	[sflag:s11] =	ssyncset.done $0x0  }
0x18: {  	[sflag:s11] =	ssyncadd.s32 $0xFFFFEC00  }
0x19: {  	[tilespmem:s12], [sflag:$0x3] =	stream.linear.gather [hbm4b:s8+s3], $0x1400, $0x38;
	[tilespmem:$0x1E800] =	vst v63  }
0x1a: {  	_ =	swait.ge [sflag:s11], $0x1400  }
0x1b: {  	[sflag:s11] =	ssyncset.done $0x0  }
0x1c: {  	[sflag:s11] =	ssyncadd.s32 $0xFFFFEC00  }
0x1d: {  	[tilespmem:s14], [sflag:$0x1] =	stream.indirect.gather [hbm4b:s4+s13], $0x80, s3, s13, $0xb8;
	[tilespmem:$0x1E800] =	vst v63  }
0x1e: {  	_ = 	snop  }
0x1f: {  	[tilespmem:s15], [sflag:$0x2] =	stream.indirect.gather [hbm4b:s4+s13], $0x80, s13, s13, $0xb8;
	[tilespmem:$0x1E800] =	vst v63  }
0x20: {  	_ =	swait.ge [sflag:s16], $0x4000  }
0x21: {  	[sflag:s16] =	ssyncset.done $0x0  }
0x22: {  	s24 =	simm.s32 $0x1400;
	[sflag:s16] =	ssyncadd.s32 $0xFFFFC000  }
0x23: {  	[spmem:s2] =	stream.indirect.scatter.add.f32 [tilespmem:s14], [sflag:$0x3], $0x80, s24, s13, $0xb8;
	[tilespmem:$0x1E800] =	vst v63  }
0x24: {  	_ =	swait.ge [sflag:s11], $0x4000  }
0x25: {  	[sflag:s11] =	ssyncset.done $0x0  }
0x26: {  	s30 =	simm.s32 $0x100;
	[sflag:s11] =	ssyncadd.s32 $0xFFFFC000  }
0x27: {  	[tilespmem:s14], [sflag:$0x1] =	stream.indirect.gather [hbm4b:s4+s13], $0x80, s30, s13, $0xb8;
	[tilespmem:$0x1E800] =	vst v63  }
0x28: {  	_ =	swait.ge [sflag:s17], $0x4000  }
0x29: {  	[sflag:s17] =	ssyncset.done $0x0  }
0x2a: {  	s31 =	simm.s32 $0x1480;
	[sflag:s17] =	ssyncadd.s32 $0xFFFFC000  }
0x2b: {  	[spmem:s2] =	stream.indirect.scatter.add.f32 [tilespmem:s15], [sflag:$0x3], $0x80, s31, s13, $0xb8;
	[tilespmem:$0x1E800] =	vst v63  }
0x2c: {  	_ =	swait.ge [sflag:s11], $0x4000  }
0x2d: {  	[sflag:s11] =	ssyncset.done $0x0  }
0x2e: {  	s25 =	simm.s32 $0x180;
	s24 =	simm.s32 $0x400;
	[sflag:s11] =	ssyncadd.s32 $0xFFFFC000  }
.LBB2_2:
0x2f: {  	[tilespmem:s15], [sflag:$0x2] =	stream.indirect.gather [hbm4b:s4+s13], $0x80, s25, s13, $0xb8;
	[tilespmem:$0x1E800] =	vst v63  }
0x30: {  	s25 =	smov.u32 s24  }
0x31: {  	p0 =	sne.s32 s24, $0x4800;
	s24 =	sadd.s32 $0x400, s24;
	_ =	swait.ge [sflag:s16], $0x4000  }
0x32: {  	s25 =	sshra.s32 s25, $0x2;
	[sflag:s16] =	ssyncset.done $0x0  }
0x33: {  	s26 =	sadd.s32 $0x1400, s25;
	[sflag:s16] =	ssyncadd.s32 $0xFFFFC000  }
0x34: {  	[spmem:s2] =	stream.indirect.scatter.add.f32 [tilespmem:s14], [sflag:$0x3], $0x80, s26, s13, $0xb8;
	[tilespmem:$0x1E800] =	vst v63  }
0x35: {  	_ =	swait.ge [sflag:s11], $0x4000  }
0x36: {  	[sflag:s11] =	ssyncset.done $0x0  }
0x37: {  	s26 =	sadd.s32 $0x100, s25;
	[sflag:s11] =	ssyncadd.s32 $0xFFFFC000  }
0x38: {  	[tilespmem:s14], [sflag:$0x1] =	stream.indirect.gather [hbm4b:s4+s13], $0x80, s26, s13, $0xb8;
	[tilespmem:$0x1E800] =	vst v63  }
0x39: {  	_ =	swait.ge [sflag:s17], $0x4000  }
0x3a: {  	[sflag:s17] =	ssyncset.done $0x0  }
.Ltmp0:
0x3b: {  	s26 =	sadd.s32 $0x1480, s25;
	[sflag:s17] =	ssyncadd.s32 $0xFFFFC000;
	(pc) =	sbr.rel @p0 .LBB2_2-.Ltmp0, $4  }
0x3c: {  	[spmem:s2] =	stream.indirect.scatter.add.f32 [tilespmem:s15], [sflag:$0x3], $0x80, s26, s13, $0xb8;
	[tilespmem:$0x1E800] =	vst v63  }
0x3d: {  	_ =	swait.ge [sflag:s11], $0x4000  }
0x3e: {  	[sflag:s11] =	ssyncset.done $0x0  }
0x3f: {  	s25 =	sadd.s32 $0x180, s25;
	[sflag:s11] =	ssyncadd.s32 $0xFFFFC000  }
0x40: {  	[tilespmem:s15], [sflag:$0x2] =	stream.indirect.gather [hbm4b:s4+s13], $0x80, s25, s13, $0xb8;
	[tilespmem:$0x1E800] =	vst v63  }
0x41: {  	_ =	swait.ge [sflag:s16], $0x4000  }
0x42: {  	[sflag:s16] =	ssyncset.done $0x0  }
0x43: {  	[sflag:s16] =	ssyncadd.s32 $0xFFFFC000  }
0x44: {  	[spmem:s2] =	stream.indirect.scatter.add.f32 [tilespmem:s14], [sflag:$0x3], $0x80, s18, s13, $0xb8;
	[tilespmem:$0x1E800] =	vst v63  }
0x45: {  	_ =	swait.ge [sflag:s11], $0x4000  }
0x46: {  	[sflag:s11] =	ssyncset.done $0x0  }
0x47: {  	[sflag:s11] =	ssyncadd.s32 $0xFFFFC000  }
0x48: {  	_ =	swait.ge [sflag:s17], $0x4000  }
0x49: {  	[sflag:s17] =	ssyncset.done $0x0  }
0x4a: {  	[sflag:s17] =	ssyncadd.s32 $0xFFFFC000  }
0x4b: {  	[spmem:s2] =	stream.indirect.scatter.add.f32 [tilespmem:s15], [sflag:$0x3], $0x80, s19, s13, $0xb8;
	[tilespmem:$0x1E800] =	vst v63  }
0x4c: {  	_ =	swait.ge [sflag:s11], $0x4000  }
0x4d: {  	[sflag:s11] =	ssyncset.done $0x0  }
0x4e: {  	s24 =	simm.s32 $0x0;
	[sflag:s11] =	ssyncadd.s32 $0xFFFFC000  }
0x4f: {  	[tilespmem:s24], [sflag:$0x3] =	stream.linear.gather [hbm4b:s20+s24], $0x1400, $0x38;
	[tilespmem:$0x1E800] =	vst v63  }
0x50: {  	_ =	swait.ge [sflag:s11], $0x1400  }
0x51: {  	[sflag:s11] =	ssyncset.done $0x0  }
0x52: {  	[sflag:s11] =	ssyncadd.s32 $0xFFFFEC00  }
0x53: {  	[tilespmem:s12], [sflag:$0x3] =	stream.linear.gather [hbm4b:s21+s24], $0x1400, $0x38;
	[tilespmem:$0x1E800] =	vst v63  }
0x54: {  	_ =	swait.ge [sflag:s11], $0x1400  }
0x55: {  	[sflag:s11] =	ssyncset.done $0x0  }
0x56: {  	[sflag:s11] =	ssyncadd.s32 $0xFFFFEC00  }
0x57: {  	[tilespmem:s14], [sflag:$0x1] =	stream.indirect.gather [hbm4b:s4+s13], $0x80, s24, s13, $0xb8;
	[tilespmem:$0x1E800] =	vst v63  }
0x58: {  	_ = 	snop  }
0x59: {  	[tilespmem:s15], [sflag:$0x2] =	stream.indirect.gather [hbm4b:s4+s13], $0x80, s13, s13, $0xb8;
	[tilespmem:$0x1E800] =	vst v63  }
0x5a: {  	_ =	swait.ge [sflag:s16], $0x4000  }
0x5b: {  	[sflag:s16] =	ssyncset.done $0x0  }
0x5c: {  	s29 =	simm.s32 $0x1400;
	[sflag:s16] =	ssyncadd.s32 $0xFFFFC000  }
0x5d: {  	[spmem:s2] =	stream.indirect.scatter.add.f32 [tilespmem:s14], [sflag:$0x3], $0x80, s29, s13, $0xb8;
	[tilespmem:$0x1E800] =	vst v63  }
0x5e: {  	_ =	swait.ge [sflag:s11], $0x4000  }
0x5f: {  	[sflag:s11] =	ssyncset.done $0x0  }
0x60: {  	s30 =	simm.s32 $0x100;
	[sflag:s11] =	ssyncadd.s32 $0xFFFFC000  }
0x61: {  	[tilespmem:s14], [sflag:$0x1] =	stream.indirect.gather [hbm4b:s4+s13], $0x80, s30, s13, $0xb8;
	[tilespmem:$0x1E800] =	vst v63  }
0x62: {  	_ =	swait.ge [sflag:s17], $0x4000  }
0x63: {  	[sflag:s17] =	ssyncset.done $0x0  }
0x64: {  	s31 =	simm.s32 $0x1480;
	[sflag:s17] =	ssyncadd.s32 $0xFFFFC000  }
0x65: {  	[spmem:s2] =	stream.indirect.scatter.add.f32 [tilespmem:s15], [sflag:$0x3], $0x80, s31, s13, $0xb8;
	[tilespmem:$0x1E800] =	vst v63  }
0x66: {  	_ =	swait.ge [sflag:s11], $0x4000  }
0x67: {  	[sflag:s11] =	ssyncset.done $0x0  }
0x68: {  	s25 =	simm.s32 $0x180;
	s24 =	simm.s32 $0x400;
	[sflag:s11] =	ssyncadd.s32 $0xFFFFC000  }
.LBB2_4:
0x69: {  	[tilespmem:s15], [sflag:$0x2] =	stream.indirect.gather [hbm4b:s4+s13], $0x80, s25, s13, $0xb8;
	[tilespmem:$0x1E800] =	vst v63  }
0x6a: {  	s25 =	smov.u32 s24  }
0x6b: {  	p0 =	sne.s32 s24, $0x4800;
	s24 =	sadd.s32 $0x400, s24;
	_ =	swait.ge [sflag:s16], $0x4000  }
0x6c: {  	s25 =	sshra.s32 s25, $0x2;
	[sflag:s16] =	ssyncset.done $0x0  }
0x6d: {  	s26 =	sadd.s32 $0x1400, s25;
	[sflag:s16] =	ssyncadd.s32 $0xFFFFC000  }
0x6e: {  	[spmem:s2] =	stream.indirect.scatter.add.f32 [tilespmem:s14], [sflag:$0x3], $0x80, s26, s13, $0xb8;
	[tilespmem:$0x1E800] =	vst v63  }
0x6f: {  	_ =	swait.ge [sflag:s11], $0x4000  }
0x70: {  	[sflag:s11] =	ssyncset.done $0x0  }
0x71: {  	s26 =	sadd.s32 $0x100, s25;
	[sflag:s11] =	ssyncadd.s32 $0xFFFFC000  }
0x72: {  	[tilespmem:s14], [sflag:$0x1] =	stream.indirect.gather [hbm4b:s4+s13], $0x80, s26, s13, $0xb8;
	[tilespmem:$0x1E800] =	vst v63  }
0x73: {  	_ =	swait.ge [sflag:s17], $0x4000  }
0x74: {  	[sflag:s17] =	ssyncset.done $0x0  }
.Ltmp1:
0x75: {  	s26 =	sadd.s32 $0x1480, s25;
	[sflag:s17] =	ssyncadd.s32 $0xFFFFC000;
	(pc) =	sbr.rel @p0 .LBB2_4-.Ltmp1, $4  }
0x76: {  	[spmem:s2] =	stream.indirect.scatter.add.f32 [tilespmem:s15], [sflag:$0x3], $0x80, s26, s13, $0xb8;
	[tilespmem:$0x1E800] =	vst v63  }
0x77: {  	_ =	swait.ge [sflag:s11], $0x4000  }
0x78: {  	[sflag:s11] =	ssyncset.done $0x0  }
0x79: {  	s25 =	sadd.s32 $0x180, s25;
	[sflag:s11] =	ssyncadd.s32 $0xFFFFC000  }
0x7a: {  	[tilespmem:s15], [sflag:$0x2] =	stream.indirect.gather [hbm4b:s4+s13], $0x80, s25, s13, $0xb8;
	[tilespmem:$0x1E800] =	vst v63  }
0x7b: {  	_ =	swait.ge [sflag:s16], $0x4000  }
0x7c: {  	[sflag:s16] =	ssyncset.done $0x0  }
0x7d: {  	[sflag:s16] =	ssyncadd.s32 $0xFFFFC000  }
0x7e: {  	[spmem:s2] =	stream.indirect.scatter.add.f32 [tilespmem:s14], [sflag:$0x3], $0x80, s18, s13, $0xb8;
	[tilespmem:$0x1E800] =	vst v63  }
0x7f: {  	_ =	swait.ge [sflag:s11], $0x4000  }
0x80: {  	[sflag:s11] =	ssyncset.done $0x0  }
0x81: {  	[sflag:s11] =	ssyncadd.s32 $0xFFFFC000  }
0x82: {  	_ =	swait.ge [sflag:s17], $0x4000  }
0x83: {  	[sflag:s17] =	ssyncset.done $0x0  }
0x84: {  	[sflag:s17] =	ssyncadd.s32 $0xFFFFC000  }
0x85: {  	[spmem:s2] =	stream.indirect.scatter.add.f32 [tilespmem:s15], [sflag:$0x3], $0x80, s19, s13, $0xb8;
	[tilespmem:$0x1E800] =	vst v63  }
0x86: {  	_ =	swait.ge [sflag:s11], $0x4000  }
0x87: {  	s23 =	sadd.s32 $0x1, s23;
	[sflag:s11] =	ssyncset.done $0x0  }
0x88: {  	p0 =	sne.s32 s23, s9;
	[sflag:s11] =	ssyncadd.s32 $0xFFFFC000  }
.Ltmp2:
0x89: {  	[bflag:$0x0] =	sbarrier.arrive $0xFFFF;
	(pc) =	sbr.rel @p0 .LBB2_1-.Ltmp2, $4  }
0x8a: {  	[hbm:s22], [sflag:s6] =	dma.local [spmem:s10], $0x2800  }
0x8b: {  	_ =	swait.ge [sflag:s11], $0x2800  }
0x8c: {  	[sflag:s11] =	ssyncset.done $0x0  }
0x8d: {  	[sflag:s11] =	ssyncadd.s32 $0xFFFFD800  }
0x8e: {  	_ =	sfence.sel $0x180000  }
0x8f: {  	[bflag:$0x0] =	sbarrier.arrive $0xFFFF  }
0x90: {  	p0 =	sne.s32 s1, $0x0;
	_ =	strace $0x9000004A  }
0x91: {  	s0 =	sadd.s32 @!p0 $0x100000, s0;
	[bflag:$0x2] =	sbarrier.arrive $0xFFFF  }
0x92: {  	[sflag:s0] =	ssyncadd.tile.s32 @!p0 $0x1;
	_ =	shalt  }
.Lfunc_end2:
_tile_overlayer_lowered:
.L_overlay_start_2:
0x93: {  	(tag) =	ssettag $0x2  }
0x94: {  	s0 =	rddreg [dreg:$0x0];
	s2 =	stileid.u32  }
0x95: {  	s1 =	rddreg [dreg:$0x1];
	p0 =	sne.s32 s2, $0x0  }
0x96: {  	s3 =	rddreg [dreg:$0x2];
	[bflag:$0x3] =	sbarrier.arrive $0xFFFF;
	s2 =	simm.s32 @!p0 $0x1C03  }
0x97: {  	[timem:s3], [sflag:s2] =	dma.local @!p0 [hbm:s0], s1  }
0x98: {  	s0 =	simm.s32 @!p0 $0x3  }
0x99: {  	_ =	swait.ge @!p0 [sflag:s0], s1  }
0x9a: {  	s1 =	ssub.s32 @!p0 $0x0, s1;
	[sflag:s0] =	ssyncset.done @!p0 $0x0  }
0x9b: {  	[sflag:s0] =	ssyncadd.s32 @!p0 s1  }
0x9c: {  	[bflag:$0x3] =	sbarrier.arrive $0xFFFF  }
0x9d: {  	_ =	shalt  }

// kernel: kernel.15.cloned.1.call-start
scs
__scs_entry_jumppad:
0x0: {  	(pc) =	sbr.rel $0x88, $3  }
0x1: {  	(tag) =	ssettag $0x0;
	lr =	simm.s32 $0x1  }
0x2: {  	[smem:$0x3F9B] =	sst lr;
	_ =	strace $0xD0000000  }
0x3: {  	_ = 	snop  }
0x4: {  	_ = 	snop  }
0x5: {  	_ = 	snop  }
0x6: {  	_ = 	snop  }
0x7: {  	_ = 	snop  }
__scs_overlays_trampoline_lowered:
0x8: {  	[smem:$0x3FAA] =	sst s0  }
0x9: {  	[smem:$0x3FAB] =	sst s1  }
0xa: {  	[smem:$0x3FAC] =	sst s2  }
0xb: {  	[smem:$0x3FAD] =	sst s3  }
0xc: {  	[smem:$0x3FAE] =	sst s4  }
0xd: {  	[smem:$0x3FAF] =	sst s5  }
0xe: {  	[smem:$0x3FB0] =	sst s6  }
0xf: {  	[smem:$0x3FB1] =	sst s7  }
0x10: {  	[smem:$0x3FB2] =	sst s8  }
0x11: {  	[smem:$0x3FB3] =	sst s9;
	s0 =	simm.s32 @!p0 $0x0  }
0x12: {  	s1 =	sld [smem:$0x3F99];
	s0 =	simm.s32 @p0 $0x1  }
0x13: {  	[smem:$0x3FB4] =	sst s0;
	s0 =	simm.s32 @!p1 $0x0  }
0x14: {  	s2 =	sld [smem:$0x3F98];
	s0 =	simm.s32 @p1 $0x1  }
0x15: {  	[smem:$0x3FB5] =	sst s0;
	s0 =	simm.s32 @!p2 $0x0  }
0x16: {  	s3 =	sld [smem:$0x3FDB];
	s0 =	simm.s32 @p2 $0x1  }
0x17: {  	s4 =	simm.s32 $0x1BF5;
	[smem:$0x3FB7] =	sst s0  }
0x18: {  	s0 =	sld [smem:$0x3F9A];
	_ =	swait.ge [sflag:s4], $0x0  }
0x19: {  	s7 =	sld [smem:$0x3F9B]  }
0x1a: {  	s8 =	sadd.s32 $0xFFFFE003, lr  }
0x1b: {  	s9 =	sadd.s32 $0xFFFFFEF7, lr;
	s5 =	simm.s32 $0xFFFFFFFF;
	p2 =	slt.u32 s8, $0xFFFFF086  }
0x1c: {  	p1 =	slt.u32 s9, $0xF7A;
	s5 =	simm.s32 @!p2 $0x0  }
0x1d: {  	s5 =	simm.s32 @p1 $0x1;
	p0 =	seq.s32 s7, s2  }
0x1e: {  	s7 =	smul.u32 @!p0 $0xF7A, s2;
	p2 =	seq.s32 @!p0 s5, $0x0  }
0x1f: {  	s9 =	smul.u32 $0xF7A, s1;
	s8 =	simm.s32 @!p0 $0x1BF5;
	p2 =	por !p2, p0  }
0x20: {  	[sflag:s8] =	ssyncset.s32 @!p0 $0xFFFFF086;
	s6 =	sadd.s32 @!p0 s3, s7;
	s7 =	simm.s32 @!p0 $0x108  }
0x21: {  	s3 =	sadd.s32 s3, s9;
	s6 =	sadd.s32 @!p0 $0x88, s6;
	s7 =	simm.s32 @p2 $0x1082  }
0x22: {  	[simem:s7], [sflag:s8] =	dma.local @!p0 [hbm:s6], $0xF7A  }
0x23: {  	s9 =	sor.u32 $0xD0000000, s2;
	s6 =	simm.s32 $0x108;
	_ =	swait.ge @!p0 [sflag:s8], $0x0  }
0x24: {  	s3 =	sadd.s32 $0x88, s3;
	s6 =	simm.s32 @!p1 $0x1082;
	[sflag:s4] =	ssyncset.s32 $0xFFFFF086  }
0x25: {  	[simem:s6], [sflag:s4] =	dma.local [hbm:s3], $0xF7A  }
0x26: {  	[smem:$0x3F9B] =	sst s1;
	(tag) =	ssettag s2;
	_ =	strace s9  }
0x27: {  	s1 =	sld [smem:$0x3FAB]  }
0x28: {  	s2 =	sld [smem:$0x3FAC]  }
0x29: {  	s4 =	sld [smem:$0x3FAE]  }
0x2a: {  	p0 =	seq.s32 s5, $0x0;
	s5 =	sld [smem:$0x3FAF]  }
0x2b: {  	s6 =	sld [smem:$0x3FB0]  }
0x2c: {  	s7 =	sld [smem:$0x3FB1]  }
0x2d: {  	s3 =	simm.s32 $0x108;
	s8 =	sld [smem:$0x3FB2]  }
0x2e: {  	s3 =	simm.s32 @!p0 $0x1082;
	s9 =	sld [smem:$0x3FB3]  }
0x2f: {  	lr =	sadd.s32 s0, s3;
	s0 =	sld [smem:$0x3FAA]  }
0x30: {  	s3 =	sld [smem:$0x3FAD]  }
0x31: {  	[smem:$0x3FB6] =	sst s10  }
0x32: {  	s10 =	sld [smem:$0x3FB4];
	_ =	sdelay $0x3  }
0x33: {  	p0 =	seq.s32 s10, $0x1;
	s10 =	sld [smem:$0x3FB6];
	_ =	sdelay $0x3  }
0x34: {  	[smem:$0x3FB6] =	sst s10  }
0x35: {  	s10 =	sld [smem:$0x3FB5];
	_ =	sdelay $0x3  }
0x36: {  	p1 =	seq.s32 s10, $0x1;
	s10 =	sld [smem:$0x3FB6];
	_ =	sdelay $0x3  }
0x37: {  	[smem:$0x3FB6] =	sst s10  }
0x38: {  	s10 =	sld [smem:$0x3FB7]  }
0x39: {  	_ = 	snop;
	(pc) =	sbr.ind lr, $3  }
0x3a: {  	_ = 	snop  }
0x3b: {  	_ = 	snop  }
0x3c: {  	p2 =	seq.s32 s10, $0x1;
	s10 =	sld [smem:$0x3FB6]  }
0x3d: {  	_ =	shalt  }
0x3e: {  	_ =	shalt  }
0x3f: {  	_ =	shalt  }
0x40: {  	_ =	shalt  }
0x41: {  	_ =	shalt  }
0x42: {  	_ =	shalt  }
0x43: {  	_ =	shalt  }
0x44: {  	_ =	shalt  }
0x45: {  	_ =	shalt  }
0x46: {  	_ =	shalt  }
0x47: {  	_ =	shalt  }
0x48: {  	_ =	shalt  }
0x49: {  	_ =	shalt  }
0x4a: {  	_ =	shalt  }
0x4b: {  	_ =	shalt  }
0x4c: {  	_ =	shalt  }
0x4d: {  	_ =	shalt  }
0x4e: {  	_ =	shalt  }
0x4f: {  	_ =	shalt  }
0x50: {  	_ =	shalt  }
0x51: {  	_ =	shalt  }
0x52: {  	_ =	shalt  }
0x53: {  	_ =	shalt  }
0x54: {  	_ =	shalt  }
0x55: {  	_ =	shalt  }
0x56: {  	_ =	shalt  }
0x57: {  	_ =	shalt  }
0x58: {  	_ =	shalt  }
0x59: {  	_ =	shalt  }
0x5a: {  	_ =	shalt  }
0x5b: {  	_ =	shalt  }
0x5c: {  	_ =	shalt  }
0x5d: {  	_ =	shalt  }
0x5e: {  	_ =	shalt  }
0x5f: {  	_ =	shalt  }
0x60: {  	_ =	shalt  }
0x61: {  	_ =	shalt  }
0x62: {  	_ =	shalt  }
0x63: {  	_ =	shalt  }
0x64: {  	_ =	shalt  }
0x65: {  	_ =	shalt  }
0x66: {  	_ =	shalt  }
0x67: {  	_ =	shalt  }
0x68: {  	_ =	shalt  }
0x69: {  	_ =	shalt  }
0x6a: {  	_ =	shalt  }
0x6b: {  	_ =	shalt  }
0x6c: {  	_ =	shalt  }
0x6d: {  	_ =	shalt  }
0x6e: {  	_ =	shalt  }
0x6f: {  	_ =	shalt  }
0x70: {  	_ =	shalt  }
0x71: {  	_ =	shalt  }
0x72: {  	_ =	shalt  }
0x73: {  	_ =	shalt  }
0x74: {  	_ =	shalt  }
0x75: {  	_ =	shalt  }
0x76: {  	_ =	shalt  }
0x77: {  	_ =	shalt  }
0x78: {  	_ =	shalt  }
0x79: {  	_ =	shalt  }
0x7a: {  	_ =	shalt  }
0x7b: {  	_ =	shalt  }
0x7c: {  	_ =	shalt  }
0x7d: {  	_ =	shalt  }
0x7e: {  	_ =	shalt  }
0x7f: {  	_ =	shalt  }
0x80: {  	_ =	shalt  }
0x81: {  	_ =	shalt  }
0x82: {  	_ =	shalt  }
0x83: {  	_ =	shalt  }
0x84: {  	_ =	shalt  }
0x85: {  	_ =	shalt  }
0x86: {  	_ =	shalt  }
0x87: {  	_ =	shalt  }
.Lfunc_end0:
.L_simem_size_0:
called_computation.2_lowered:
.L_overlay_start_0:
0x88: {  	s2 =	sld [smem:$0x3FD9]  }
0x89: {  	s3 =	sld [smem:$0x3FFE];
	_ =	sdelay $0x1  }
0x8a: {  	s1 =	srdreg.scid  }
0x8b: {  	s0 =	sand.u32 $0x1, s1  }
0x8c: {  	s16 =	sshll.u32 s0, $0xA;
	s2 =	sadd.s32 s3, s2  }
0x8d: {  	s2 =	sadd.s32 s2, s16  }
0x8e: {  	[smem:$0x3FC2] =	sst s2  }
0x8f: {  	_ = 	snop  }
0x90: {  	(tm) =	ssettm $0x1  }
0x91: {  	s17 =	sld [smem:$0x3FFB];
	_ =	sdelay $0x3  }
0x92: {  	_ =	strace s17  }
0x93: {  	s2 =	sld [smem:$0x3FFC];
	_ =	sdelay $0x3  }
0x94: {  	_ =	strace s2  }
0x95: {  	s2 =	sld [smem:$0x3FFD];
	_ =	sdelay $0x3  }
0x96: {  	_ =	strace s2  }
0x97: {  	_ =	strace $0x8FFFFFFF  }
0x98: {  	s18 =	sld [smem:$0x3FDB];
	_ =	sdelay $0x1  }
0x99: {  	s19 =	simm.s32 $_scs_section_size  }
0x9a: {  	s4 =	simm.s32 $_size__tile_overlayer_lowered;
	s5 =	simm.s32 $_tile_overlayer_lowered  }
0x9b: {  	s22 =	simm.s32 $0x1BFF;
	s21 =	sshll.u32 s5, $0x1;
	s2 =	sadd.s32 s19, s18  }
0x9c: {  	s6 =	simm.s32 $0x0;
	s20 =	sshll.u32 s4, $0x1;
	s4 =	sadd.s32 s21, s2  }
0x9d: {  	[timem:s6], [sflag:s22] =	dma.local [hbm:s4], s20  }
0x9e: {  	_ =	swait.ge [sflag:s22], s20  }
0x9f: {  	s3 =	ssub.s32 $0x0, s20;
	[sflag:s22] =	ssyncset.done $0x0  }
0xa0: {  	[sflag:s22] =	ssyncadd.s32 s3;
	_ =	sdelay $0x1  }
0xa1: {  	s23 =	simm.s32 $0x1B8B  }
0xa2: {  	_ =	swait.ge [sflag:s23], $0x1  }
0xa3: {  	[sflag:s23] =	ssyncset.done $0x0  }
0xa4: {  	s25 =	simm.s32 $0x1B8E;
	s24 =	sld [smem:$0x3FFE];
	[sflag:s23] =	ssyncadd.s32 $0xFFFFFFFF  }
0xa5: {  	s26 =	simm.s32 $execute0_lowered;
	[smem:$0x3FD2] =	sst s25  }
0xa6: {  	s4 =	sshll.u32 s26, $0x1;
	_ =	strace $0x8000004C;
	[dreg:$0x1] =	wrdreg $0xFFFFFFFF  }
0xa7: {  	s28 =	simm.s32 $_size_execute0_lowered;
	s2 =	sadd.s32 s2, s4;
	[dreg:$0x0] =	wrdreg $0x0  }
0xa8: {  	s4 =	sshll.u32 s28, $0x1;
	[dreg:$0x2] =	wrdreg s2  }
0xa9: {  	[dreg:$0x3] =	wrdreg s4  }
0xaa: {  	[dreg:$0x4] =	wrdreg $0xC0  }
0xab: {  	_ =	task [dreg:s6], $0x5FFFF  }
0xac: {  	[dreg:$0x1] =	wrdreg $0xFFFFFFFF  }
0xad: {  	[dreg:$0x0] =	wrdreg $0x60  }
0xae: {  	[dreg:$0x2] =	wrdreg s24  }
0xaf: {  	[dreg:$0x3] =	wrdreg $0x7B000  }
0xb0: {  	[dreg:$0x4] =	wrdreg $0x9  }
0xb1: {  	_ =	task.clear_ibuf [dreg:s6], $0x5FFFF;
	_ =	strace $0x9000004C  }
0xb2: {  	s29 =	simm.s32 $0x9;
	_ =	strace $0x8000004E  }
0xb3: {  	_ =	swait.ge [sflag:s29], $0x1  }
0xb4: {  	[sflag:s29] =	ssyncadd.s32 $0xFFFFFFFF  }
0xb5: {  	_ =	strace $0x9000004E  }
0xb6: {  	_ =	sfence  }
0xb7: {  	s30 =	sld [smem:$0x0];
	_ =	sdelay $0x2  }
0xb8: {  	s31 =	sshll.u32 s1, $0xD;
	s1 =	sshrl.u32 s1, $0x2  }
0xb9: {  	s3 =	sand.u32 $0x4000, s31;
	s1 =	sadd.s32 s1, s30  }
0xba: {  	s0 =	sor.u32 s3, s0;
	s1 =	sshll.u32 s1, $0x11  }
0xbb: {  	s0 =	sor.u32 s1, s0  }
0xbc: {  	s0 =	sadd.s32 $0x8F2B, s0  }
0xbd: {  	[sflag:s0] =	ssyncadd.remote.s32 $0x1  }
0xbe: {  	_ =	sfence.sel $0xFFFF  }
0xbf: {  	[dreg:$0x0] =	wrdreg $0xFFFFFFFF;
	(pc) =	sbr.abs _section_cstart, $3  }
0xc0: {  	[dreg:$0x1] =	wrdreg $0xFFFFFFFF  }
0xc1: {  	_ =	task.clear_ibuf [dreg:s6], $0x2FFFF;
	_ =	strace $0x9FFFFFFF  }
0xc2: {  	(tm) =	ssettm $0x7FFFFFFF  }
0xc3: {  	_ =	shalt  }
tec
execute0_lowered:
.L_overlay_start_1:
0x0: {  	(tag) =	ssettag $0x1  }
0x1: {  	s0 =	srdreg.scid;
	s5 =	rddreg [dreg:$0x0]  }
0x2: {  	s2 =	rddreg [dreg:$0x1];
	s1 =	stileid.u32;
	s3 =	simm.s32 $0x0  }
0x3: {  	s12 =	simm.s32 $0x2800;
	s13 =	simm.s32 $0x80;
	s14 =	simm.s32 $0x7800  }
0x4: {  	s4 =	sand.u32 $0x1, s0;
	s0 =	rddreg [dreg:$0x2];
	s9 =	smul.u32 $0xA00, s1  }
0x5: {  	s17 =	simm.s32 $0x0;
	[smem:$0x7FF] =	sst s3;
	s16 =	smul.u32 $0xA0, s1  }
0x6: {  	s6 =	sshll.u32 s4, $0x4;
	_ =	strace $0x8000004D;
	s8 =	ssub.s32 $0x2, s4  }
0x7: {  	s4 =	sadd.s32 $0x16C00, s5;
	s7 =	sor.u32 s1, s6;
	s10 =	sshrl.u32 s8, $0x1  }
0x8: {  	s11 =	sadd.s32 s6, s5;
	s31 =	sshrl.u32 s9, $0x2;
	s9 =	simm.s32 $0x7880  }
0x9: {  	s7 =	smul.u32 $0x500, s7;
	s8 =	ssub.s32 s8, s10;
	s15 =	sadd.s32 $0x17200, s11  }
0xa: {  	s10 =	simm.s32 $0x1;
	s11 =	simm.s32 $0x5000;
	s8 =	smax.u32 s8, $0x1  }
0xb: {  	s15 =	sadd.s32 s16, s15;
	s16 =	simm.s32 $0x100;
	s7 =	sadd.s32 s7, s5  }
0xc: {  	v0 =	vimm.f32 $0.0e+00;
	s5 =	sadd.s32 s31, s2;
	s6 =	sadd.s32 $0xCC00, s7;
	s7 =	sadd.s32 $0x2C00, s7  }
.LBB2_1:
0xd: {  	[tilespmem:$0x7880] =	vst v0  }
0xe: {  	[tilespmem:$0x7890] =	vst v0  }
0xf: {  	[tilespmem:$0x78A0] =	vst v0  }
0x10: {  	[tilespmem:$0x78B0] =	vst v0  }
0x11: {  	[tilespmem:$0x78C0] =	vst v0  }
0x12: {  	[tilespmem:$0x78D0] =	vst v0  }
0x13: {  	[tilespmem:$0x78E0] =	vst v0  }
0x14: {  	[tilespmem:$0x78F0] =	vst v0  }
0x15: {  	[tilespmem:$0x7900] =	vst v0  }
0x16: {  	[tilespmem:$0x7910] =	vst v0  }
0x17: {  	[tilespmem:$0x7920] =	vst v0  }
0x18: {  	[tilespmem:$0x7930] =	vst v0  }
0x19: {  	[tilespmem:$0x7940] =	vst v0  }
0x1a: {  	[tilespmem:$0x7950] =	vst v0  }
0x1b: {  	[tilespmem:$0x7960] =	vst v0  }
0x1c: {  	[tilespmem:$0x7970] =	vst v0  }
0x1d: {  	[tilespmem:$0x7980] =	vst v0  }
0x1e: {  	[tilespmem:$0x7990] =	vst v0  }
0x1f: {  	[tilespmem:$0x79A0] =	vst v0  }
0x20: {  	[tilespmem:$0x79B0] =	vst v0  }
0x21: {  	[tilespmem:$0x79C0] =	vst v0  }
0x22: {  	[tilespmem:$0x79D0] =	vst v0  }
0x23: {  	[tilespmem:$0x79E0] =	vst v0  }
0x24: {  	[tilespmem:$0x79F0] =	vst v0  }
0x25: {  	[tilespmem:$0x7A00] =	vst v0  }
0x26: {  	[tilespmem:$0x7A10] =	vst v0  }
0x27: {  	[tilespmem:$0x7A20] =	vst v0  }
0x28: {  	[tilespmem:$0x7A30] =	vst v0  }
0x29: {  	[tilespmem:$0x7A40] =	vst v0  }
0x2a: {  	[tilespmem:$0x7A50] =	vst v0  }
0x2b: {  	[tilespmem:$0x7A60] =	vst v0  }
0x2c: {  	[tilespmem:$0x7A70] =	vst v0  }
0x2d: {  	[tilespmem:$0x7A80] =	vst v0  }
0x2e: {  	[tilespmem:$0x7A90] =	vst v0  }
0x2f: {  	[tilespmem:$0x7AA0] =	vst v0  }
0x30: {  	[tilespmem:$0x7AB0] =	vst v0  }
0x31: {  	[tilespmem:$0x7AC0] =	vst v0  }
0x32: {  	[tilespmem:$0x7AD0] =	vst v0  }
0x33: {  	[tilespmem:$0x7AE0] =	vst v0  }
0x34: {  	[tilespmem:$0x7AF0] =	vst v0  }
0x35: {  	[spmem:s5] =	stream.linear.scatter [tilespmem:s9], [sflag:$0x1], $0x280, $0x38;
	[tilespmem:$0x7D80] =	vst v63  }
0x36: {  	_ =	swait.ge [sflag:s10], $0x280  }
0x37: {  	[sflag:s10] =	ssyncset.done $0x0  }
0x38: {  	[sflag:s10] =	ssyncadd.s32 $0xFFFFFD80  }
0x39: {  	[tilespmem:s11], [sflag:$0x1] =	stream.linear.gather [hbm4b:s4+s3], $0x2800, $0x38;
	[tilespmem:$0x7D80] =	vst v63  }
0x3a: {  	_ =	swait.ge [sflag:s10], $0x2800  }
0x3b: {  	[sflag:s10] =	ssyncset.done $0x0  }
0x3c: {  	[sflag:s10] =	ssyncadd.s32 $0xFFFFD800  }
0x3d: {  	[tilespmem:s3], [sflag:$0x1] =	stream.linear.gather [hbm4b:s6+s3], $0x2800, $0x38;
	[tilespmem:$0x7D80] =	vst v63  }
0x3e: {  	_ =	swait.ge [sflag:s10], $0x2800  }
0x3f: {  	[sflag:s10] =	ssyncset.done $0x0  }
0x40: {  	[sflag:s10] =	ssyncadd.s32 $0xFFFFD800  }
0x41: {  	[tilespmem:s12], [sflag:$0x1] =	stream.linear.gather [hbm4b:s7+s3], $0x2800, $0x38;
	[tilespmem:$0x7D80] =	vst v63  }
0x42: {  	_ =	swait.ge [sflag:s10], $0x2800  }
0x43: {  	[sflag:s10] =	ssyncset.done $0x0  }
0x44: {  	[sflag:s10] =	ssyncadd.s32 $0xFFFFD800  }
0x45: {  	s18 =	simm.s32 $0x0;
	[bflag:$0x0] =	sbarrier.arrive $0xFFFF  }
.LBB2_2:
0x46: {  	s19 =	sshra.s32 s18, $0x2  }
0x47: {  	v1 =	vld [tilespmem:s19+$0x0];
	_ =	sdelay $0x7  }
0x48: {  	v1 =	vld.idx.msk [tilespmem:v1+s11+$0x0], $0xffff;
	_ =	sdelay $0x4  }
0x49: {  	[tilespmem:$0x7800] =	vst v1  }
0x4a: {  	v1 =	vld [tilespmem:s19+$0x10];
	_ =	sdelay $0x7  }
0x4b: {  	v1 =	vld.idx.msk [tilespmem:v1+s11+$0x0], $0xffff;
	_ =	sdelay $0x4  }
0x4c: {  	[tilespmem:$0x7810] =	vst v1  }
0x4d: {  	v1 =	vld [tilespmem:s19+$0x20];
	_ =	sdelay $0x7  }
0x4e: {  	v1 =	vld.idx.msk [tilespmem:v1+s11+$0x0], $0xffff;
	_ =	sdelay $0x4  }
0x4f: {  	[tilespmem:$0x7820] =	vst v1  }
0x50: {  	v1 =	vld [tilespmem:s19+$0x30];
	_ =	sdelay $0x7  }
0x51: {  	v1 =	vld.idx.msk [tilespmem:v1+s11+$0x0], $0xffff;
	_ =	sdelay $0x4  }
0x52: {  	[tilespmem:$0x7830] =	vst v1  }
0x53: {  	v1 =	vld [tilespmem:s19+$0x40];
	_ =	sdelay $0x7  }
0x54: {  	v1 =	vld.idx.msk [tilespmem:v1+s11+$0x0], $0xffff;
	_ =	sdelay $0x4  }
0x55: {  	[tilespmem:$0x7840] =	vst v1  }
0x56: {  	v1 =	vld [tilespmem:s19+$0x50];
	_ =	sdelay $0x7  }
0x57: {  	v1 =	vld.idx.msk [tilespmem:v1+s11+$0x0], $0xffff;
	_ =	sdelay $0x4  }
0x58: {  	[tilespmem:$0x7850] =	vst v1  }
0x59: {  	v1 =	vld [tilespmem:s19+$0x60];
	_ =	sdelay $0x7  }
0x5a: {  	v1 =	vld.idx.msk [tilespmem:v1+s11+$0x0], $0xffff;
	_ =	sdelay $0x4  }
0x5b: {  	[tilespmem:$0x7860] =	vst v1  }
0x5c: {  	v1 =	vld [tilespmem:s19+$0x70];
	_ =	sdelay $0x7  }
0x5d: {  	v1 =	vld.idx.msk [tilespmem:v1+s11+$0x0], $0xffff;
	_ =	sdelay $0x3  }
0x5e: {  	p0 =	sne.s32 s18, $0x9E00  }
.Ltmp0:
0x5f: {  	s19 =	sadd.s32 $0x2800, s19;
	[tilespmem:$0x7870] =	vst v1;
	(pc) =	sbr.rel @p0 .LBB2_2-.Ltmp0, $4  }
0x60: {  	[spmem:s2] =	stream.indirect.scatter.add.f32 [tilespmem:s14], [sflag:$0x1], $0x1, s19, s13, $0xb8;
	[tilespmem:$0x7D80] =	vst v63  }
0x61: {  	_ =	swait.ge [sflag:s10], $0x80  }
0x62: {  	[sflag:s10] =	ssyncset.done $0x0  }
0x63: {  	s18 =	sadd.s32 $0x200, s18;
	[sflag:s10] =	ssyncadd.s32 $0xFFFFFF80  }
0x64: {  	[bflag:$0x0] =	sbarrier.arrive $0xFFFF  }
0x65: {  	[tilespmem:s9], [sflag:$0x1] =	stream.linear.gather [spmem:s5], $0x280, $0x38;
	[tilespmem:$0x7D80] =	vst v63  }
0x66: {  	s17 =	sadd.s32 $0x1, s17;
	_ =	swait.ge [sflag:s10], $0x280  }
0x67: {  	p0 =	sne.s32 s17, s8;
	[sflag:s10] =	ssyncset.done $0x0  }
.Ltmp1:
0x68: {  	[sflag:s10] =	ssyncadd.s32 $0xFFFFFD80;
	(pc) =	sbr.rel @p0 .LBB2_1-.Ltmp1, $4  }
0x69: {  	[hbm4b:s15+s13] =	stream.strided.scatter [tilespmem:s9], [sflag:$0x1], $0x280, s16, s13, $0x38;
	[tilespmem:$0x7D80] =	vst v63  }
0x6a: {  	_ =	swait.ge [sflag:s10], $0x280  }
0x6b: {  	[sflag:s10] =	ssyncset.done $0x0  }
0x6c: {  	[sflag:s10] =	ssyncadd.s32 $0xFFFFFD80  }
0x6d: {  	_ =	sfence.sel $0x180000  }
0x6e: {  	[bflag:$0x0] =	sbarrier.arrive $0xFFFF  }
0x6f: {  	p0 =	sne.s32 s1, $0x0;
	_ =	strace $0x9000004D  }
0x70: {  	s0 =	sadd.s32 @!p0 $0x100000, s0;
	[bflag:$0x2] =	sbarrier.arrive $0xFFFF  }
0x71: {  	[sflag:s0] =	ssyncadd.tile.s32 @!p0 $0x1;
	_ =	shalt  }
.Lfunc_end2:
_tile_overlayer_lowered:
.L_overlay_start_2:
0x72: {  	(tag) =	ssettag $0x2  }
0x73: {  	s0 =	rddreg [dreg:$0x0];
	s2 =	stileid.u32  }
0x74: {  	s1 =	rddreg [dreg:$0x1];
	p0 =	sne.s32 s2, $0x0  }
0x75: {  	s3 =	rddreg [dreg:$0x2];
	[bflag:$0x3] =	sbarrier.arrive $0xFFFF;
	s2 =	simm.s32 @!p0 $0x1C01  }
0x76: {  	[timem:s3], [sflag:s2] =	dma.local @!p0 [hbm:s0], s1  }
0x77: {  	s0 =	simm.s32 @!p0 $0x1  }
0x78: {  	_ =	swait.ge @!p0 [sflag:s0], s1  }
0x79: {  	s1 =	ssub.s32 @!p0 $0x0, s1;
	[sflag:s0] =	ssyncset.done @!p0 $0x0  }
0x7a: {  	[sflag:s0] =	ssyncadd.s32 @!p0 s1  }
0x7b: {  	[bflag:$0x3] =	sbarrier.arrive $0xFFFF  }
0x7c: {  	_ =	shalt  }

// kernel: kernel.9.cloned.1.call-start
scs
__scs_entry_jumppad:
0x0: {  	(pc) =	sbr.rel $0x88, $3  }
0x1: {  	(tag) =	ssettag $0x0;
	lr =	simm.s32 $0x1  }
0x2: {  	[smem:$0x3F9B] =	sst lr;
	_ =	strace $0xD0000000  }
0x3: {  	_ = 	snop  }
0x4: {  	_ = 	snop  }
0x5: {  	_ = 	snop  }
0x6: {  	_ = 	snop  }
0x7: {  	_ = 	snop  }
__scs_overlays_trampoline_lowered:
0x8: {  	[smem:$0x3FAA] =	sst s0  }
0x9: {  	[smem:$0x3FAB] =	sst s1  }
0xa: {  	[smem:$0x3FAC] =	sst s2  }
0xb: {  	[smem:$0x3FAD] =	sst s3  }
0xc: {  	[smem:$0x3FAE] =	sst s4  }
0xd: {  	[smem:$0x3FAF] =	sst s5  }
0xe: {  	[smem:$0x3FB0] =	sst s6  }
0xf: {  	[smem:$0x3FB1] =	sst s7  }
0x10: {  	[smem:$0x3FB2] =	sst s8  }
0x11: {  	[smem:$0x3FB3] =	sst s9;
	s0 =	simm.s32 @!p0 $0x0  }
0x12: {  	s1 =	sld [smem:$0x3F99];
	s0 =	simm.s32 @p0 $0x1  }
0x13: {  	[smem:$0x3FB4] =	sst s0;
	s0 =	simm.s32 @!p1 $0x0  }
0x14: {  	s2 =	sld [smem:$0x3F98];
	s0 =	simm.s32 @p1 $0x1  }
0x15: {  	[smem:$0x3FB5] =	sst s0;
	s0 =	simm.s32 @!p2 $0x0  }
0x16: {  	s3 =	sld [smem:$0x3FDB];
	s0 =	simm.s32 @p2 $0x1  }
0x17: {  	s4 =	simm.s32 $0x1BF5;
	[smem:$0x3FB7] =	sst s0  }
0x18: {  	s0 =	sld [smem:$0x3F9A];
	_ =	swait.ge [sflag:s4], $0x0  }
0x19: {  	s7 =	sld [smem:$0x3F9B]  }
0x1a: {  	s8 =	sadd.s32 $0xFFFFE003, lr  }
0x1b: {  	s9 =	sadd.s32 $0xFFFFFEF7, lr;
	s5 =	simm.s32 $0xFFFFFFFF;
	p2 =	slt.u32 s8, $0xFFFFF086  }
0x1c: {  	p1 =	slt.u32 s9, $0xF7A;
	s5 =	simm.s32 @!p2 $0x0  }
0x1d: {  	s5 =	simm.s32 @p1 $0x1;
	p0 =	seq.s32 s7, s2  }
0x1e: {  	s7 =	smul.u32 @!p0 $0xF7A, s2;
	p2 =	seq.s32 @!p0 s5, $0x0  }
0x1f: {  	s9 =	smul.u32 $0xF7A, s1;
	s8 =	simm.s32 @!p0 $0x1BF5;
	p2 =	por !p2, p0  }
0x20: {  	[sflag:s8] =	ssyncset.s32 @!p0 $0xFFFFF086;
	s6 =	sadd.s32 @!p0 s3, s7;
	s7 =	simm.s32 @!p0 $0x108  }
0x21: {  	s3 =	sadd.s32 s3, s9;
	s6 =	sadd.s32 @!p0 $0x88, s6;
	s7 =	simm.s32 @p2 $0x1082  }
0x22: {  	[simem:s7], [sflag:s8] =	dma.local @!p0 [hbm:s6], $0xF7A  }
0x23: {  	s9 =	sor.u32 $0xD0000000, s2;
	s6 =	simm.s32 $0x108;
	_ =	swait.ge @!p0 [sflag:s8], $0x0  }
0x24: {  	s3 =	sadd.s32 $0x88, s3;
	s6 =	simm.s32 @!p1 $0x1082;
	[sflag:s4] =	ssyncset.s32 $0xFFFFF086  }
0x25: {  	[simem:s6], [sflag:s4] =	dma.local [hbm:s3], $0xF7A  }
0x26: {  	[smem:$0x3F9B] =	sst s1;
	(tag) =	ssettag s2;
	_ =	strace s9  }
0x27: {  	s1 =	sld [smem:$0x3FAB]  }
0x28: {  	s2 =	sld [smem:$0x3FAC]  }
0x29: {  	s4 =	sld [smem:$0x3FAE]  }
0x2a: {  	p0 =	seq.s32 s5, $0x0;
	s5 =	sld [smem:$0x3FAF]  }
0x2b: {  	s6 =	sld [smem:$0x3FB0]  }
0x2c: {  	s7 =	sld [smem:$0x3FB1]  }
0x2d: {  	s3 =	simm.s32 $0x108;
	s8 =	sld [smem:$0x3FB2]  }
0x2e: {  	s3 =	simm.s32 @!p0 $0x1082;
	s9 =	sld [smem:$0x3FB3]  }
0x2f: {  	lr =	sadd.s32 s0, s3;
	s0 =	sld [smem:$0x3FAA]  }
0x30: {  	s3 =	sld [smem:$0x3FAD]  }
0x31: {  	[smem:$0x3FB6] =	sst s10  }
0x32: {  	s10 =	sld [smem:$0x3FB4];
	_ =	sdelay $0x3  }
0x33: {  	p0 =	seq.s32 s10, $0x1;
	s10 =	sld [smem:$0x3FB6];
	_ =	sdelay $0x3  }
0x34: {  	[smem:$0x3FB6] =	sst s10  }
0x35: {  	s10 =	sld [smem:$0x3FB5];
	_ =	sdelay $0x3  }
0x36: {  	p1 =	seq.s32 s10, $0x1;
	s10 =	sld [smem:$0x3FB6];
	_ =	sdelay $0x3  }
0x37: {  	[smem:$0x3FB6] =	sst s10  }
0x38: {  	s10 =	sld [smem:$0x3FB7]  }
0x39: {  	_ = 	snop;
	(pc) =	sbr.ind lr, $3  }
0x3a: {  	_ = 	snop  }
0x3b: {  	_ = 	snop  }
0x3c: {  	p2 =	seq.s32 s10, $0x1;
	s10 =	sld [smem:$0x3FB6]  }
0x3d: {  	_ =	shalt  }
0x3e: {  	_ =	shalt  }
0x3f: {  	_ =	shalt  }
0x40: {  	_ =	shalt  }
0x41: {  	_ =	shalt  }
0x42: {  	_ =	shalt  }
0x43: {  	_ =	shalt  }
0x44: {  	_ =	shalt  }
0x45: {  	_ =	shalt  }
0x46: {  	_ =	shalt  }
0x47: {  	_ =	shalt  }
0x48: {  	_ =	shalt  }
0x49: {  	_ =	shalt  }
0x4a: {  	_ =	shalt  }
0x4b: {  	_ =	shalt  }
0x4c: {  	_ =	shalt  }
0x4d: {  	_ =	shalt  }
0x4e: {  	_ =	shalt  }
0x4f: {  	_ =	shalt  }
0x50: {  	_ =	shalt  }
0x51: {  	_ =	shalt  }
0x52: {  	_ =	shalt  }
0x53: {  	_ =	shalt  }
0x54: {  	_ =	shalt  }
0x55: {  	_ =	shalt  }
0x56: {  	_ =	shalt  }
0x57: {  	_ =	shalt  }
0x58: {  	_ =	shalt  }
0x59: {  	_ =	shalt  }
0x5a: {  	_ =	shalt  }
0x5b: {  	_ =	shalt  }
0x5c: {  	_ =	shalt  }
0x5d: {  	_ =	shalt  }
0x5e: {  	_ =	shalt  }
0x5f: {  	_ =	shalt  }
0x60: {  	_ =	shalt  }
0x61: {  	_ =	shalt  }
0x62: {  	_ =	shalt  }
0x63: {  	_ =	shalt  }
0x64: {  	_ =	shalt  }
0x65: {  	_ =	shalt  }
0x66: {  	_ =	shalt  }
0x67: {  	_ =	shalt  }
0x68: {  	_ =	shalt  }
0x69: {  	_ =	shalt  }
0x6a: {  	_ =	shalt  }
0x6b: {  	_ =	shalt  }
0x6c: {  	_ =	shalt  }
0x6d: {  	_ =	shalt  }
0x6e: {  	_ =	shalt  }
0x6f: {  	_ =	shalt  }
0x70: {  	_ =	shalt  }
0x71: {  	_ =	shalt  }
0x72: {  	_ =	shalt  }
0x73: {  	_ =	shalt  }
0x74: {  	_ =	shalt  }
0x75: {  	_ =	shalt  }
0x76: {  	_ =	shalt  }
0x77: {  	_ =	shalt  }
0x78: {  	_ =	shalt  }
0x79: {  	_ =	shalt  }
0x7a: {  	_ =	shalt  }
0x7b: {  	_ =	shalt  }
0x7c: {  	_ =	shalt  }
0x7d: {  	_ =	shalt  }
0x7e: {  	_ =	shalt  }
0x7f: {  	_ =	shalt  }
0x80: {  	_ =	shalt  }
0x81: {  	_ =	shalt  }
0x82: {  	_ =	shalt  }
0x83: {  	_ =	shalt  }
0x84: {  	_ =	shalt  }
0x85: {  	_ =	shalt  }
0x86: {  	_ =	shalt  }
0x87: {  	_ =	shalt  }
.Lfunc_end0:
.L_simem_size_0:
called_computation_lowered:
.L_overlay_start_0:
0x88: {  	s2 =	sld [smem:$0x3FD9]  }
0x89: {  	s3 =	sld [smem:$0x3FFE];
	_ =	sdelay $0x1  }
0x8a: {  	s1 =	srdreg.scid  }
0x8b: {  	s0 =	sand.u32 $0x1, s1  }
0x8c: {  	s16 =	sshll.u32 s0, $0xA;
	s2 =	sadd.s32 s3, s2  }
0x8d: {  	s2 =	sadd.s32 s2, s16  }
0x8e: {  	[smem:$0x3FC2] =	sst s2  }
0x8f: {  	_ = 	snop  }
0x90: {  	(tm) =	ssettm $0x1  }
0x91: {  	s17 =	sld [smem:$0x3FFB];
	_ =	sdelay $0x3  }
0x92: {  	_ =	strace s17  }
0x93: {  	s2 =	sld [smem:$0x3FFC];
	_ =	sdelay $0x3  }
0x94: {  	_ =	strace s2  }
0x95: {  	s2 =	sld [smem:$0x3FFD];
	_ =	sdelay $0x3  }
0x96: {  	_ =	strace s2  }
0x97: {  	_ =	strace $0x8FFFFFFF  }
0x98: {  	s18 =	sld [smem:$0x3FDB];
	_ =	sdelay $0x1  }
0x99: {  	s19 =	simm.s32 $_scs_section_size  }
0x9a: {  	s4 =	simm.s32 $_size__tile_overlayer_lowered;
	s5 =	simm.s32 $_tile_overlayer_lowered  }
0x9b: {  	s22 =	simm.s32 $0x1BFF;
	s21 =	sshll.u32 s5, $0x1;
	s2 =	sadd.s32 s19, s18  }
0x9c: {  	s6 =	simm.s32 $0x0;
	s20 =	sshll.u32 s4, $0x1;
	s4 =	sadd.s32 s21, s2  }
0x9d: {  	[timem:s6], [sflag:s22] =	dma.local [hbm:s4], s20  }
0x9e: {  	_ =	swait.ge [sflag:s22], s20  }
0x9f: {  	s3 =	ssub.s32 $0x0, s20;
	[sflag:s22] =	ssyncset.done $0x0  }
0xa0: {  	[sflag:s22] =	ssyncadd.s32 s3;
	_ =	sdelay $0x1  }
0xa1: {  	s23 =	simm.s32 $0x1B8B  }
0xa2: {  	_ =	swait.ge [sflag:s23], $0x1  }
0xa3: {  	[sflag:s23] =	ssyncset.done $0x0  }
0xa4: {  	s25 =	simm.s32 $0x1B8E;
	s24 =	sld [smem:$0x3FFE];
	[sflag:s23] =	ssyncadd.s32 $0xFFFFFFFF  }
0xa5: {  	s26 =	simm.s32 $execute0_lowered;
	[smem:$0x3FD2] =	sst s25  }
0xa6: {  	s4 =	sshll.u32 s26, $0x1;
	_ =	strace $0x80000046;
	[dreg:$0x1] =	wrdreg $0xFFFFFFFF  }
0xa7: {  	s28 =	simm.s32 $_size_execute0_lowered;
	s2 =	sadd.s32 s2, s4;
	[dreg:$0x0] =	wrdreg $0x0  }
0xa8: {  	s4 =	sshll.u32 s28, $0x1;
	[dreg:$0x2] =	wrdreg s2  }
0xa9: {  	[dreg:$0x3] =	wrdreg s4  }
0xaa: {  	[dreg:$0x4] =	wrdreg $0xC0  }
0xab: {  	_ =	task [dreg:s6], $0x5FFFF  }
0xac: {  	[dreg:$0x1] =	wrdreg $0xFFFFFFFF  }
0xad: {  	[dreg:$0x0] =	wrdreg $0x60  }
0xae: {  	[dreg:$0x2] =	wrdreg s24  }
0xaf: {  	[dreg:$0x3] =	wrdreg $0x2B000  }
0xb0: {  	[dreg:$0x4] =	wrdreg $0x9  }
0xb1: {  	_ =	task.clear_ibuf [dreg:s6], $0x5FFFF;
	_ =	strace $0x90000046  }
0xb2: {  	s29 =	simm.s32 $0x9;
	_ =	strace $0x80000048  }
0xb3: {  	_ =	swait.ge [sflag:s29], $0x1  }
0xb4: {  	[sflag:s29] =	ssyncadd.s32 $0xFFFFFFFF  }
0xb5: {  	_ =	strace $0x90000048  }
0xb6: {  	_ =	sfence  }
0xb7: {  	s30 =	sld [smem:$0x0];
	_ =	sdelay $0x2  }
0xb8: {  	s31 =	sshll.u32 s1, $0xD;
	s1 =	sshrl.u32 s1, $0x2  }
0xb9: {  	s3 =	sand.u32 $0x4000, s31;
	s1 =	sadd.s32 s1, s30  }
0xba: {  	s0 =	sor.u32 s3, s0;
	s1 =	sshll.u32 s1, $0x11  }
0xbb: {  	s0 =	sor.u32 s1, s0  }
0xbc: {  	s0 =	sadd.s32 $0x8F2B, s0  }
0xbd: {  	[sflag:s0] =	ssyncadd.remote.s32 $0x1  }
0xbe: {  	_ =	sfence.sel $0xFFFF  }
0xbf: {  	[dreg:$0x0] =	wrdreg $0xFFFFFFFF;
	(pc) =	sbr.abs _section_cstart, $3  }
0xc0: {  	[dreg:$0x1] =	wrdreg $0xFFFFFFFF  }
0xc1: {  	_ =	task.clear_ibuf [dreg:s6], $0x2FFFF;
	_ =	strace $0x9FFFFFFF  }
0xc2: {  	(tm) =	ssettm $0x7FFFFFFF  }
0xc3: {  	_ =	shalt  }
tec
execute0_lowered:
.L_overlay_start_1:
0x0: {  	(tag) =	ssettag $0x1  }
0x1: {  	s5 =	rddreg [dreg:$0x0]  }
0x2: {  	s2 =	rddreg [dreg:$0x1]  }
0x3: {  	s0 =	srdreg.scid;
	s1 =	rddreg [dreg:$0x2]  }
0x4: {  	s3 =	simm.s32 $0x0;
	s10 =	simm.s32 $0x2800;
	s13 =	simm.s32 $0x0  }
0x5: {  	s4 =	sand.u32 $0x1, s0;
	s0 =	stileid.u32;
	[smem:$0x7FF] =	sst s3  }
0x6: {  	s6 =	sshll.u32 s4, $0x4;
	s4 =	ssub.s32 $0x2, s4;
	s8 =	smul.u32 $0xA00, s0  }
0x7: {  	_ =	strace $0x80000047;
	s12 =	smul.u32 $0xA0, s0;
	s7 =	sor.u32 s0, s6  }
0x8: {  	s9 =	sshrl.u32 s4, $0x1;
	s6 =	sadd.s32 s6, s5;
	s7 =	smul.u32 $0x500, s7  }
0x9: {  	s9 =	ssub.s32 s4, s9;
	s31 =	sshrl.u32 s8, $0x2;
	s11 =	sadd.s32 $0x16C00, s6  }
0xa: {  	s8 =	simm.s32 $0x1;
	s4 =	sadd.s32 s31, s2;
	s6 =	smax.u32 s9, $0x1  }
0xb: {  	s9 =	simm.s32 $0x80;
	s11 =	sadd.s32 s12, s11;
	s7 =	sadd.s32 s7, s5  }
0xc: {  	v0 =	vimm.f32 $1.000000000e+00;
	v1 =	vimm.f32 $0.0e+00;
	s12 =	simm.s32 $0x100;
	s5 =	sadd.s32 $0x2C00, s7;
	s7 =	simm.s32 $0x2880  }
.LBB2_1:
0xd: {  	[tilespmem:$0x2800] =	vst v0  }
0xe: {  	[tilespmem:$0x2810] =	vst v0  }
0xf: {  	[tilespmem:$0x2820] =	vst v0  }
0x10: {  	[tilespmem:$0x2830] =	vst v0  }
0x11: {  	[tilespmem:$0x2840] =	vst v0  }
0x12: {  	[tilespmem:$0x2850] =	vst v0  }
0x13: {  	[tilespmem:$0x2860] =	vst v0  }
0x14: {  	[tilespmem:$0x2870] =	vst v0  }
0x15: {  	[tilespmem:$0x2880] =	vst v1  }
0x16: {  	[tilespmem:$0x2890] =	vst v1  }
0x17: {  	[tilespmem:$0x28A0] =	vst v1  }
0x18: {  	[tilespmem:$0x28B0] =	vst v1  }
0x19: {  	[tilespmem:$0x28C0] =	vst v1  }
0x1a: {  	[tilespmem:$0x28D0] =	vst v1  }
0x1b: {  	[tilespmem:$0x28E0] =	vst v1  }
0x1c: {  	[tilespmem:$0x28F0] =	vst v1  }
0x1d: {  	[tilespmem:$0x2900] =	vst v1  }
0x1e: {  	[tilespmem:$0x2910] =	vst v1  }
0x1f: {  	[tilespmem:$0x2920] =	vst v1  }
0x20: {  	[tilespmem:$0x2930] =	vst v1  }
0x21: {  	[tilespmem:$0x2940] =	vst v1  }
0x22: {  	[tilespmem:$0x2950] =	vst v1  }
0x23: {  	[tilespmem:$0x2960] =	vst v1  }
0x24: {  	[tilespmem:$0x2970] =	vst v1  }
0x25: {  	[tilespmem:$0x2980] =	vst v1  }
0x26: {  	[tilespmem:$0x2990] =	vst v1  }
0x27: {  	[tilespmem:$0x29A0] =	vst v1  }
0x28: {  	[tilespmem:$0x29B0] =	vst v1  }
0x29: {  	[tilespmem:$0x29C0] =	vst v1  }
0x2a: {  	[tilespmem:$0x29D0] =	vst v1  }
0x2b: {  	[tilespmem:$0x29E0] =	vst v1  }
0x2c: {  	[tilespmem:$0x29F0] =	vst v1  }
0x2d: {  	[tilespmem:$0x2A00] =	vst v1  }
0x2e: {  	[tilespmem:$0x2A10] =	vst v1  }
0x2f: {  	[tilespmem:$0x2A20] =	vst v1  }
0x30: {  	[tilespmem:$0x2A30] =	vst v1  }
0x31: {  	[tilespmem:$0x2A40] =	vst v1  }
0x32: {  	[tilespmem:$0x2A50] =	vst v1  }
0x33: {  	[tilespmem:$0x2A60] =	vst v1  }
0x34: {  	[tilespmem:$0x2A70] =	vst v1  }
0x35: {  	[tilespmem:$0x2A80] =	vst v1  }
0x36: {  	[tilespmem:$0x2A90] =	vst v1  }
0x37: {  	[tilespmem:$0x2AA0] =	vst v1  }
0x38: {  	[tilespmem:$0x2AB0] =	vst v1  }
0x39: {  	[tilespmem:$0x2AC0] =	vst v1  }
0x3a: {  	[tilespmem:$0x2AD0] =	vst v1  }
0x3b: {  	[tilespmem:$0x2AE0] =	vst v1  }
0x3c: {  	[tilespmem:$0x2AF0] =	vst v1  }
0x3d: {  	[spmem:s4] =	stream.linear.scatter [tilespmem:s7], [sflag:$0x1], $0x280, $0x38;
	[tilespmem:$0x2D80] =	vst v63  }
0x3e: {  	_ =	swait.ge [sflag:s8], $0x280  }
0x3f: {  	[sflag:s8] =	ssyncset.done $0x0  }
0x40: {  	[sflag:s8] =	ssyncadd.s32 $0xFFFFFD80  }
0x41: {  	[tilespmem:s3], [sflag:$0x1] =	stream.linear.gather [hbm4b:s5+s3], $0x2800, $0x38;
	[tilespmem:$0x2D80] =	vst v63  }
0x42: {  	_ =	swait.ge [sflag:s8], $0x2800  }
0x43: {  	[sflag:s8] =	ssyncset.done $0x0  }
0x44: {  	[sflag:s8] =	ssyncadd.s32 $0xFFFFD800  }
0x45: {  	s14 =	simm.s32 $0x0;
	[bflag:$0x0] =	sbarrier.arrive $0xFFFF  }
0x46: {  	[spmem:s2] =	stream.indirect.scatter.add.f32 [tilespmem:s10], [sflag:$0x1], $0x1, s14, s9, $0xb8;
	[tilespmem:$0x2D80] =	vst v63  }
0x47: {  	_ =	swait.ge [sflag:s8], $0x80  }
0x48: {  	s14 =	simm.s32 $0x200;
	[sflag:s8] =	ssyncset.done $0x0  }
.LBB2_2:
0x49: {  	s15 =	sshra.s32 s14, $0x2;
	[sflag:s8] =	ssyncadd.s32 $0xFFFFFF80;
	p0 =	sne.s32 s14, $0x9E00  }
0x4a: {  	[spmem:s2] =	stream.indirect.scatter.add.f32 [tilespmem:s10], [sflag:$0x1], $0x1, s15, s9, $0xb8;
	[tilespmem:$0x2D80] =	vst v63  }
.Ltmp0:
0x4b: {  	_ = 	snop;
	(pc) =	sbr.rel @p0 .LBB2_2-.Ltmp0, $4  }
0x4c: {  	_ = 	snop  }
0x4d: {  	s14 =	sadd.s32 $0x200, s14  }
0x4e: {  	_ =	swait.ge [sflag:s8], $0x80  }
0x4f: {  	[sflag:s8] =	ssyncset.done $0x0  }
0x50: {  	[sflag:s8] =	ssyncadd.s32 $0xFFFFFF80  }
0x51: {  	[bflag:$0x0] =	sbarrier.arrive $0xFFFF  }
0x52: {  	[tilespmem:s7], [sflag:$0x1] =	stream.linear.gather [spmem:s4], $0x280, $0x38;
	[tilespmem:$0x2D80] =	vst v63  }
0x53: {  	s13 =	sadd.s32 $0x1, s13;
	_ =	swait.ge [sflag:s8], $0x280  }
0x54: {  	p0 =	sne.s32 s13, s6;
	[sflag:s8] =	ssyncset.done $0x0  }
.Ltmp1:
0x55: {  	[sflag:s8] =	ssyncadd.s32 $0xFFFFFD80;
	(pc) =	sbr.rel @p0 .LBB2_1-.Ltmp1, $4  }
0x56: {  	[hbm4b:s11+s9] =	stream.strided.scatter [tilespmem:s7], [sflag:$0x1], $0x280, s12, s9, $0x38;
	[tilespmem:$0x2D80] =	vst v63  }
0x57: {  	_ =	swait.ge [sflag:s8], $0x280  }
0x58: {  	[sflag:s8] =	ssyncset.done $0x0  }
0x59: {  	[sflag:s8] =	ssyncadd.s32 $0xFFFFFD80  }
0x5a: {  	_ =	sfence.sel $0x180000  }
0x5b: {  	[bflag:$0x0] =	sbarrier.arrive $0xFFFF  }
0x5c: {  	p0 =	sne.s32 s0, $0x0;
	_ =	strace $0x90000047  }
0x5d: {  	s0 =	sadd.s32 @!p0 $0x100000, s1;
	[bflag:$0x2] =	sbarrier.arrive $0xFFFF  }
0x5e: {  	[sflag:s0] =	ssyncadd.tile.s32 @!p0 $0x1;
	_ =	shalt  }
.Lfunc_end2:
_tile_overlayer_lowered:
.L_overlay_start_2:
0x5f: {  	(tag) =	ssettag $0x2  }
0x60: {  	s0 =	rddreg [dreg:$0x0];
	s2 =	stileid.u32  }
0x61: {  	s1 =	rddreg [dreg:$0x1];
	p0 =	sne.s32 s2, $0x0  }
0x62: {  	s3 =	rddreg [dreg:$0x2];
	[bflag:$0x3] =	sbarrier.arrive $0xFFFF;
	s2 =	simm.s32 @!p0 $0x1C01  }
0x63: {  	[timem:s3], [sflag:s2] =	dma.local @!p0 [hbm:s0], s1  }
0x64: {  	s0 =	simm.s32 @!p0 $0x1  }
0x65: {  	_ =	swait.ge @!p0 [sflag:s0], s1  }
0x66: {  	s1 =	ssub.s32 @!p0 $0x0, s1;
	[sflag:s0] =	ssyncset.done @!p0 $0x0  }
0x67: {  	[sflag:s0] =	ssyncadd.s32 @!p0 s1  }
0x68: {  	[bflag:$0x3] =	sbarrier.arrive $0xFFFF  }
0x69: {  	_ =	shalt  }

</sc_bundles>
